<compile_context>
chip_gen: v7x
topology: tpu7x:2x2x1
jax: 0.10.2.dev20260603
libtpu: 0.0.44.dev20260713+nightly
codegen_flags: <defaults>
</compile_context>

<pallas_src>
import functools

import jax
import jax.numpy as jnp
from jax import lax
from jax.experimental import pallas as pl
from jax.experimental.pallas import tpu as pltpu
from jax.experimental.pallas import tpu_sc as plsc

N_NODES = 10000
N_EDGES = 320000
D_HID = 128
COMBINED = 256
D_EDGE = 16

NUM_CORES = 2
NUM_SUBCORES = 16
NUM_TILES = NUM_CORES * NUM_SUBCORES
EDGES_PER_TILE = N_EDGES // NUM_TILES
CHUNK = 80
NUM_CHUNKS = EDGES_PER_TILE // CHUNK
N_PAD = 10240
ROWS_PER_SUB = N_PAD // NUM_SUBCORES
ZROWS = 128



def _xs_body(a_ref, w_ref, oi_ref, of_ref, oc_ref, oo_ref):
    acc = jnp.dot(a_ref[...], w_ref[...], preferred_element_type=jnp.float32)
    oi_ref[...] = acc[:, 0:128]
    of_ref[...] = acc[:, 128:256]
    oc_ref[...] = acc[:, 256:384]
    oo_ref[...] = acc[:, 384:512]


def _xs_matmul(combined, Wn_all):
    rb = 1000
    grid = (N_NODES // rb,)
    out = jax.ShapeDtypeStruct((N_NODES, D_HID), jnp.float32)
    return pl.pallas_call(
        _xs_body,
        grid=grid,
        in_specs=[
            pl.BlockSpec((rb, COMBINED), lambda i: (i, 0)),
            pl.BlockSpec((COMBINED, 512), lambda i: (0, 0)),
        ],
        out_specs=[pl.BlockSpec((rb, D_HID), lambda i: (i, 0))] * 4,
        out_shape=[out] * 4,
    )(combined, Wn_all)


def _ep_body(a_ref, w_ref, b_ref, oi_ref, of_ref, oc_ref, oo_ref):
    acc = jnp.dot(a_ref[...], w_ref[...], preferred_element_type=jnp.float32)
    acc = acc + b_ref[...]
    oi_ref[...] = acc[:, 0:128]
    of_ref[...] = acc[:, 128:256]
    oc_ref[...] = acc[:, 256:384]
    oo_ref[...] = acc[:, 384:512]


def _ep_matmul(edge_attr, We_all, b_all):
    eb = 2000
    grid = (N_EDGES // eb,)
    out = jax.ShapeDtypeStruct((N_EDGES, D_HID), jnp.float32)
    return pl.pallas_call(
        _ep_body,
        grid=grid,
        in_specs=[
            pl.BlockSpec((eb, D_EDGE), lambda i: (i, 0)),
            pl.BlockSpec((D_EDGE, 512), lambda i: (0, 0)),
            pl.BlockSpec((1, 512), lambda i: (0, 0)),
        ],
        out_specs=[pl.BlockSpec((eb, D_HID), lambda i: (i, 0))] * 4,
        out_shape=[out] * 4,
    )(edge_attr, We_all, b_all)



def _sc_body(src_hbm, dst_hbm,
             xs_i, xs_f, xs_c, xs_o,
             ep_i, ep_f, ep_c, ep_o,
             out_i, out_f, out_c, out_o,
             sidx_v, didx_v, rows_v, ep_v, zbuf_v, agg_sh, sem):
    cid = lax.axis_index("c")
    sid = lax.axis_index("s")
    wid = cid * NUM_SUBCORES + sid
    ebase = wid * EDGES_PER_TILE

    def zrow(i, carry):
        for j in range(D_HID // 16):
            zbuf_v[i, pl.ds(j * 16, 16)] = jnp.zeros((16,), jnp.float32)
        return carry
    lax.fori_loop(0, ZROWS, zrow, 0)

    xs_refs = [xs_i, xs_f, xs_c, xs_o]
    ep_refs = [ep_i, ep_f, ep_c, ep_o]
    out_refs = [out_i, out_f, out_c, out_o]

    for g in range(4):
        for r in range(ROWS_PER_SUB // ZROWS):
            pltpu.sync_copy(zbuf_v,
                            agg_sh.at[pl.ds(sid * ROWS_PER_SUB + r * ZROWS, ZROWS)])
        plsc.subcore_barrier()

        def chunk(ci, carry):
            base = ebase + ci * CHUNK
            pltpu.sync_copy(src_hbm.at[pl.ds(base, CHUNK)], sidx_v)
            pltpu.sync_copy(dst_hbm.at[pl.ds(base, CHUNK)], didx_v)
            pltpu.async_copy(xs_refs[g].at[sidx_v], rows_v, sem).wait()
            pltpu.sync_copy(ep_refs[g].at[pl.ds(base, CHUNK)], ep_v)

            def row(i, c2):
                for j in range(D_HID // 16):
                    s = rows_v[i, pl.ds(j * 16, 16)] + ep_v[i, pl.ds(j * 16, 16)]
                    rows_v[i, pl.ds(j * 16, 16)] = jnp.maximum(s, 0.0)
                return c2
            lax.fori_loop(0, CHUNK, row, 0)

            pltpu.sync_copy(rows_v, agg_sh.at[didx_v], add=True)
            return carry
        lax.fori_loop(0, NUM_CHUNKS, chunk, 0)
        plsc.subcore_barrier()

        pltpu.sync_copy(agg_sh.at[pl.ds(sid * ROWS_PER_SUB, ROWS_PER_SUB)],
                        out_refs[g].at[cid, pl.ds(sid * ROWS_PER_SUB, ROWS_PER_SUB)])
        plsc.subcore_barrier()


def _sc_scatter(src, dst, xs, ep):
    part = jax.ShapeDtypeStruct((NUM_CORES, N_PAD, D_HID), jnp.float32)
    fn = pl.kernel(
        _sc_body,
        out_type=[part] * 4,
        mesh=plsc.VectorSubcoreMesh(core_axis_name="c", subcore_axis_name="s"),
        scratch_types=[
            pltpu.VMEM((CHUNK,), jnp.int32),
            pltpu.VMEM((CHUNK,), jnp.int32),
            pltpu.VMEM((CHUNK, D_HID), jnp.float32),
            pltpu.VMEM((CHUNK, D_HID), jnp.float32),
            pltpu.VMEM((ZROWS, D_HID), jnp.float32),
            pltpu.VMEM_SHARED((N_PAD, D_HID), jnp.float32),
            pltpu.SemaphoreType.DMA,
        ],
    )
    return fn(src, dst, *xs, *ep)



def _combine_body(pi_ref, pf_ref, pc_ref, po_ref, cprev_ref, h_ref, c_ref):
    gi = jax.nn.sigmoid(pi_ref[0] + pi_ref[1])
    gf = jax.nn.sigmoid(pf_ref[0] + pf_ref[1])
    gc = jnp.tanh(pc_ref[0] + pc_ref[1])
    go = jax.nn.sigmoid(po_ref[0] + po_ref[1])
    c = gf * cprev_ref[...] + gi * gc
    h_ref[...] = go * jnp.tanh(c)
    c_ref[...] = c


def _combine(parts, c_prev):
    rb = 1000
    grid = (N_NODES // rb,)
    out = jax.ShapeDtypeStruct((N_NODES, D_HID), jnp.float32)
    pspec = pl.BlockSpec((NUM_CORES, rb, D_HID), lambda i: (0, i, 0))
    return pl.pallas_call(
        _combine_body,
        grid=grid,
        in_specs=[pspec, pspec, pspec, pspec,
                  pl.BlockSpec((rb, D_HID), lambda i: (i, 0))],
        out_specs=[pl.BlockSpec((rb, D_HID), lambda i: (i, 0))] * 2,
        out_shape=[out, out],
    )(*parts, c_prev)



def kernel(x, edge_index, edge_attr, h_prev, c_prev,
           Wn_i, We_i, b_i, Wn_f, We_f, b_f,
           Wn_c, We_c, b_c, Wn_o, We_o, b_o):
    src = edge_index[0].astype(jnp.int32)
    dst = edge_index[1].astype(jnp.int32)
    combined = jnp.concatenate([x, h_prev], axis=1)
    Wn_all = jnp.concatenate([Wn_i, Wn_f, Wn_c, Wn_o], axis=1)
    We_all = jnp.concatenate([We_i, We_f, We_c, We_o], axis=1)
    b_all = jnp.concatenate([b_i, b_f, b_c, b_o]).reshape(1, 512)

    xs = _xs_matmul(combined, Wn_all)
    ep = _ep_matmul(edge_attr, We_all, b_all)
    parts = _sc_scatter(src, dst, xs, ep)
    h, c = _combine(parts, c_prev)
    return (h, c)

# --- scband reference (transcript-rebuilt; emitter-appended) ---
"""Pipeline reference for scband-graph-conv-lstmcell-5866925326811 (READ-ONLY COPY).

The authoritative reference and input builder live on the scoring server;
editing this copy changes nothing except your own understanding.
"""

import jax, jax.numpy as jnp
import numpy as np

N_NODES = 10000
N_EDGES = 320000
D_NODE = 128
D_HID = 128
D_EDGE = 16
COMBINED = D_NODE + D_HID


def _glorot(key, shape):
    fan_in, fan_out = shape[0], shape[1]
    lim = jnp.sqrt(6.0 / (fan_in + fan_out))
    return jax.random.uniform(key, shape, dtype=jnp.float32, minval=-lim, maxval=lim)


def setup_inputs(seed: int = 0) -> dict:
    key = jax.random.key(seed)
    ks = jax.random.split(key, 24)
    inp = {
        "x": jax.random.normal(ks[0], (N_NODES, D_NODE), dtype=jnp.float32),
        "edge_index": jax.random.randint(ks[1], (2, N_EDGES), 0, N_NODES, dtype=jnp.int64),
        "edge_attr": jax.random.normal(ks[2], (N_EDGES, D_EDGE), dtype=jnp.float32),
        "h_prev": jax.random.normal(ks[3], (N_NODES, D_HID), dtype=jnp.float32),
        "c_prev": jax.random.normal(ks[4], (N_NODES, D_HID), dtype=jnp.float32),
    }
    # learned params for the four CustomGraphLayer gates (i, f, c, o):
    # node linear [COMBINED, D_HID], edge linear [D_EDGE, D_HID], bias [D_HID]
    for gi, gate in enumerate(["i", "f", "c", "o"]):
        inp[f"Wn_{gate}"] = _glorot(ks[5 + 3 * gi], (COMBINED, D_HID))
        inp[f"We_{gate}"] = _glorot(ks[6 + 3 * gi], (D_EDGE, D_HID))
        inp[f"b_{gate}"] = jnp.zeros((D_HID,), dtype=jnp.float32)
    return inp


def _custom_graph_layer(xc, edge_index, edge_attr, Wn, We, b):
    # node transform, then message = relu(x_src + edge_proj), scatter-add to dst
    xs = xc @ Wn
    src = edge_index[0]
    dst = edge_index[1]
    msg = jax.nn.relu(jnp.take(xs, src, axis=0) + edge_attr @ We + b)
    agg = jnp.zeros((xc.shape[0], Wn.shape[1]), dtype=xc.dtype).at[dst].add(msg)
    return agg


def reference(x, edge_index, edge_attr, h_prev, c_prev,
              Wn_i, We_i, b_i, Wn_f, We_f, b_f,
              Wn_c, We_c, b_c, Wn_o, We_o, b_o):
    combined = jnp.concatenate([x, h_prev], axis=1)
    i = jax.nn.sigmoid(_custom_graph_layer(combined, edge_index, edge_attr, Wn_i, We_i, b_i))
    f = jax.nn.sigmoid(_custom_graph_layer(combined, edge_index, edge_attr, Wn_f, We_f, b_f))
    c = f * c_prev + i * jnp.tanh(_custom_graph_layer(combined, edge_index, edge_attr, Wn_c, We_c, b_c))
    o = jax.nn.sigmoid(_custom_graph_layer(combined, edge_index, edge_attr, Wn_o, We_o, b_o))
    h = o * jnp.tanh(c)
    return (h, c)

if __name__ == "__main__":
    import jax
    _d = setup_inputs()
    print(jax.jit(kernel)(*tuple(_d.values())))

</pallas_src>

<mosaic_0001>
#map = affine_map<(d0, d1) -> (0)>
#map1 = affine_map<(d0, d1) -> (0, 0)>
#map2 = affine_map<(d0, d1) -> (0, 0, 0)>
module attributes {stable_mosaic.version = 14 : i64} {
  func.func @_sc_body(%arg0: i32, %arg1: i32, %arg2: memref<320000xi32, #tpu.memory_space<hbm>>, %arg3: memref<320000xi32, #tpu.memory_space<hbm>>, %arg4: memref<10000x128xf32, #tpu.memory_space<hbm>>, %arg5: memref<10000x128xf32, #tpu.memory_space<hbm>>, %arg6: memref<10000x128xf32, #tpu.memory_space<hbm>>, %arg7: memref<10000x128xf32, #tpu.memory_space<hbm>>, %arg8: memref<320000x128xf32, #tpu.memory_space<hbm>>, %arg9: memref<320000x128xf32, #tpu.memory_space<hbm>>, %arg10: memref<320000x128xf32, #tpu.memory_space<hbm>>, %arg11: memref<320000x128xf32, #tpu.memory_space<hbm>>, %arg12: memref<2x10240x128xf32, #tpu.memory_space<hbm>>, %arg13: memref<2x10240x128xf32, #tpu.memory_space<hbm>>, %arg14: memref<2x10240x128xf32, #tpu.memory_space<hbm>>, %arg15: memref<2x10240x128xf32, #tpu.memory_space<hbm>>, %arg16: memref<80xi32, #tpu.memory_space<vmem>>, %arg17: memref<80xi32, #tpu.memory_space<vmem>>, %arg18: memref<80x128xf32, #tpu.memory_space<vmem>>, %arg19: memref<80x128xf32, #tpu.memory_space<vmem>>, %arg20: memref<128x128xf32, #tpu.memory_space<vmem>>, %arg21: memref<10240x128xf32, #tpu.memory_space<vmem_shared>>, %arg22: memref<!tpu.dma_semaphore, #tpu.memory_space<semaphore_mem>>) attributes {dimension_semantics = [#tpu.dimension_semantics<core_parallel>, #tpu.dimension_semantics<subcore_parallel>], iteration_bounds = array<i64: 2, 16>, scalar_prefetch = 0 : i64, scratch_operands = 7 : i64, tpu.core_type = #tpu.core_type<sc_vector_subcore>, window_params = [{transform_indices = #map}, {transform_indices = #map}, {transform_indices = #map1}, {transform_indices = #map1}, {transform_indices = #map1}, {transform_indices = #map1}, {transform_indices = #map1}, {transform_indices = #map1}, {transform_indices = #map1}, {transform_indices = #map1}, {transform_indices = #map2}, {transform_indices = #map2}, {transform_indices = #map2}, {transform_indices = #map2}]} {
    %mul3A = arith.constant 16 : i32
    %mul3A_0 = arith.muli %arg0, %mul3A : i32
    %add3A = arith.addi %mul3A_0, %arg1 : i32
    %mul3A_1 = arith.constant 10000 : i32
    %mul3A_2 = arith.muli %add3A, %mul3A_1 : i32
    %scan3A = arith.constant 0 : i32
    %scan3A_3 = arith.constant 0 : i32
    %scan3A_4 = arith.constant 128 : i32
    %scan3A_5 = arith.addi %scan3A_3, %scan3A_4 : i32
    %scan3A_6 = arith.constant 1 : i32
    scf.for %scan3A_139 = %scan3A_3 to %scan3A_5 step %scan3A_6  : i32 {
      %broadcast_in_dim3A = arith.constant 0.000000e+00 : f32
      %broadcast_in_dim3A_140 = vector.broadcast %broadcast_in_dim3A : f32 to vector<16xf32>
      %swap3A = arith.index_cast %scan3A_139 : i32 to index
      %swap3A_141 = arith.constant 0 : index
      %swap3A_142 = tpu.vector_load %arg20[%swap3A, %swap3A_141] {strides = array<i32>} : memref<128x128xf32, #tpu.memory_space<vmem>>, vector<1x16xf32>,
      %swap3A_143 = vector.shape_cast %swap3A_142 : vector<1x16xf32> to vector<16xf32>
      %swap3A_144 = vector.shape_cast %broadcast_in_dim3A_140 : vector<16xf32> to vector<1x16xf32>
      tpu.vector_store %arg20[%swap3A, %swap3A_141], %swap3A_144 {strides = array<i32>} : memref<128x128xf32, #tpu.memory_space<vmem>>, vector<1x16xf32>,
      %broadcast_in_dim3A_145 = arith.constant 0.000000e+00 : f32
      %broadcast_in_dim3A_146 = vector.broadcast %broadcast_in_dim3A_145 : f32 to vector<16xf32>
      %swap3A_147 = arith.index_cast %scan3A_139 : i32 to index
      %swap3A_148 = arith.constant 16 : index
      %swap3A_149 = tpu.vector_load %arg20[%swap3A_147, %swap3A_148] {strides = array<i32>} : memref<128x128xf32, #tpu.memory_space<vmem>>, vector<1x16xf32>,
      %swap3A_150 = vector.shape_cast %swap3A_149 : vector<1x16xf32> to vector<16xf32>
      %swap3A_151 = vector.shape_cast %broadcast_in_dim3A_146 : vector<16xf32> to vector<1x16xf32>
      tpu.vector_store %arg20[%swap3A_147, %swap3A_148], %swap3A_151 {strides = array<i32>} : memref<128x128xf32, #tpu.memory_space<vmem>>, vector<1x16xf32>,
      %broadcast_in_dim3A_152 = arith.constant 0.000000e+00 : f32
      %broadcast_in_dim3A_153 = vector.broadcast %broadcast_in_dim3A_152 : f32 to vector<16xf32>
      %swap3A_154 = arith.index_cast %scan3A_139 : i32 to index
      %swap3A_155 = arith.constant 32 : index
      %swap3A_156 = tpu.vector_load %arg20[%swap3A_154, %swap3A_155] {strides = array<i32>} : memref<128x128xf32, #tpu.memory_space<vmem>>, vector<1x16xf32>,
      %swap3A_157 = vector.shape_cast %swap3A_156 : vector<1x16xf32> to vector<16xf32>
      %swap3A_158 = vector.shape_cast %broadcast_in_dim3A_153 : vector<16xf32> to vector<1x16xf32>
      tpu.vector_store %arg20[%swap3A_154, %swap3A_155], %swap3A_158 {strides = array<i32>} : memref<128x128xf32, #tpu.memory_space<vmem>>, vector<1x16xf32>,
      %broadcast_in_dim3A_159 = arith.constant 0.000000e+00 : f32
      %broadcast_in_dim3A_160 = vector.broadcast %broadcast_in_dim3A_159 : f32 to vector<16xf32>
      %swap3A_161 = arith.index_cast %scan3A_139 : i32 to index
      %swap3A_162 = arith.constant 48 : index
      %swap3A_163 = tpu.vector_load %arg20[%swap3A_161, %swap3A_162] {strides = array<i32>} : memref<128x128xf32, #tpu.memory_space<vmem>>, vector<1x16xf32>,
      %swap3A_164 = vector.shape_cast %swap3A_163 : vector<1x16xf32> to vector<16xf32>
      %swap3A_165 = vector.shape_cast %broadcast_in_dim3A_160 : vector<16xf32> to vector<1x16xf32>
      tpu.vector_store %arg20[%swap3A_161, %swap3A_162], %swap3A_165 {strides = array<i32>} : memref<128x128xf32, #tpu.memory_space<vmem>>, vector<1x16xf32>,
      %broadcast_in_dim3A_166 = arith.constant 0.000000e+00 : f32
      %broadcast_in_dim3A_167 = vector.broadcast %broadcast_in_dim3A_166 : f32 to vector<16xf32>
      %swap3A_168 = arith.index_cast %scan3A_139 : i32 to index
      %swap3A_169 = arith.constant 64 : index
      %swap3A_170 = tpu.vector_load %arg20[%swap3A_168, %swap3A_169] {strides = array<i32>} : memref<128x128xf32, #tpu.memory_space<vmem>>, vector<1x16xf32>,
      %swap3A_171 = vector.shape_cast %swap3A_170 : vector<1x16xf32> to vector<16xf32>
      %swap3A_172 = vector.shape_cast %broadcast_in_dim3A_167 : vector<16xf32> to vector<1x16xf32>
      tpu.vector_store %arg20[%swap3A_168, %swap3A_169], %swap3A_172 {strides = array<i32>} : memref<128x128xf32, #tpu.memory_space<vmem>>, vector<1x16xf32>,
      %broadcast_in_dim3A_173 = arith.constant 0.000000e+00 : f32
      %broadcast_in_dim3A_174 = vector.broadcast %broadcast_in_dim3A_173 : f32 to vector<16xf32>
      %swap3A_175 = arith.index_cast %scan3A_139 : i32 to index
      %swap3A_176 = arith.constant 80 : index
      %swap3A_177 = tpu.vector_load %arg20[%swap3A_175, %swap3A_176] {strides = array<i32>} : memref<128x128xf32, #tpu.memory_space<vmem>>, vector<1x16xf32>,
      %swap3A_178 = vector.shape_cast %swap3A_177 : vector<1x16xf32> to vector<16xf32>
      %swap3A_179 = vector.shape_cast %broadcast_in_dim3A_174 : vector<16xf32> to vector<1x16xf32>
      tpu.vector_store %arg20[%swap3A_175, %swap3A_176], %swap3A_179 {strides = array<i32>} : memref<128x128xf32, #tpu.memory_space<vmem>>, vector<1x16xf32>,
      %broadcast_in_dim3A_180 = arith.constant 0.000000e+00 : f32
      %broadcast_in_dim3A_181 = vector.broadcast %broadcast_in_dim3A_180 : f32 to vector<16xf32>
      %swap3A_182 = arith.index_cast %scan3A_139 : i32 to index
      %swap3A_183 = arith.constant 96 : index
      %swap3A_184 = tpu.vector_load %arg20[%swap3A_182, %swap3A_183] {strides = array<i32>} : memref<128x128xf32, #tpu.memory_space<vmem>>, vector<1x16xf32>,
      %swap3A_185 = vector.shape_cast %swap3A_184 : vector<1x16xf32> to vector<16xf32>
      %swap3A_186 = vector.shape_cast %broadcast_in_dim3A_181 : vector<16xf32> to vector<1x16xf32>
      tpu.vector_store %arg20[%swap3A_182, %swap3A_183], %swap3A_186 {strides = array<i32>} : memref<128x128xf32, #tpu.memory_space<vmem>>, vector<1x16xf32>,
      %broadcast_in_dim3A_187 = arith.constant 0.000000e+00 : f32
      %broadcast_in_dim3A_188 = vector.broadcast %broadcast_in_dim3A_187 : f32 to vector<16xf32>
      %swap3A_189 = arith.index_cast %scan3A_139 : i32 to index
      %swap3A_190 = arith.constant 112 : index
      %swap3A_191 = tpu.vector_load %arg20[%swap3A_189, %swap3A_190] {strides = array<i32>} : memref<128x128xf32, #tpu.memory_space<vmem>>, vector<1x16xf32>,
      %swap3A_192 = vector.shape_cast %swap3A_191 : vector<1x16xf32> to vector<16xf32>
      %swap3A_193 = vector.shape_cast %broadcast_in_dim3A_188 : vector<16xf32> to vector<1x16xf32>
      tpu.vector_store %arg20[%swap3A_189, %swap3A_190], %swap3A_193 {strides = array<i32>} : memref<128x128xf32, #tpu.memory_space<vmem>>, vector<1x16xf32>,
    }
    %scan3A_7 = arith.constant 128 : i32
    %mul3A_8 = arith.constant 640 : i32
    %mul3A_9 = arith.muli %arg1, %mul3A_8 : i32
    %add3A_10 = arith.constant 0 : i32
    %add3A_11 = arith.addi %mul3A_9, %add3A_10 : i32
    "tpu.region"() ({
      %run_scoped3A = tpu.sem_alloc : memref<!tpu.dma_semaphore, #tpu.memory_space<semaphore_mem>>
      %dma_start3A = arith.constant 0 : i32
      %dma_start3A_139 = tpu.memref_slice %arg21[%add3A_11, %dma_start3A] : memref<10240x128xf32, #tpu.memory_space<vmem_shared>> -> memref<128x128xf32, #tpu.memory_space<vmem_shared>>
      %dma_start3A_140 = arith.constant 0 : i32
      %dma_start3A_141 = tpu.memref_slice %arg21[%add3A_11, %dma_start3A_140] : memref<10240x128xf32, #tpu.memory_space<vmem_shared>> -> memref<128x128xf32, #tpu.memory_space<vmem_shared>>
      tpu.enqueue_dma source(%arg20 : memref<128x128xf32, #tpu.memory_space<vmem>>) target(%dma_start3A_141 : memref<128x128xf32, #tpu.memory_space<vmem_shared>>) target_semaphore(%run_scoped3A : memref<!tpu.dma_semaphore, #tpu.memory_space<semaphore_mem>>)
      %dma_wait3A = arith.constant 0 : i32
      %dma_wait3A_142 = tpu.memref_slice %arg21[%add3A_11, %dma_wait3A] : memref<10240x128xf32, #tpu.memory_space<vmem_shared>> -> memref<128x128xf32, #tpu.memory_space<vmem_shared>>
      %dma_wait3A_143 = arith.constant 0 : i32
      %dma_wait3A_144 = tpu.memref_slice %arg21[%add3A_11, %dma_wait3A_143] : memref<10240x128xf32, #tpu.memory_space<vmem_shared>> -> memref<128x128xf32, #tpu.memory_space<vmem_shared>>
      tpu.wait_dma2 semaphore(%run_scoped3A : memref<!tpu.dma_semaphore, #tpu.memory_space<semaphore_mem>>) src(%arg20 : memref<128x128xf32, #tpu.memory_space<vmem>>) dst(%dma_wait3A_144 : memref<128x128xf32, #tpu.memory_space<vmem_shared>>)
      tpu.yield
    }) : () -> ()
    %mul3A_12 = arith.constant 640 : i32
    %mul3A_13 = arith.muli %arg1, %mul3A_12 : i32
    %add3A_14 = arith.constant 128 : i32
    %add3A_15 = arith.addi %mul3A_13, %add3A_14 : i32
    "tpu.region"() ({
      %run_scoped3A = tpu.sem_alloc : memref<!tpu.dma_semaphore, #tpu.memory_space<semaphore_mem>>
      %dma_start3A = arith.constant 0 : i32
      %dma_start3A_139 = tpu.memref_slice %arg21[%add3A_15, %dma_start3A] : memref<10240x128xf32, #tpu.memory_space<vmem_shared>> -> memref<128x128xf32, #tpu.memory_space<vmem_shared>>
      %dma_start3A_140 = arith.constant 0 : i32
      %dma_start3A_141 = tpu.memref_slice %arg21[%add3A_15, %dma_start3A_140] : memref<10240x128xf32, #tpu.memory_space<vmem_shared>> -> memref<128x128xf32, #tpu.memory_space<vmem_shared>>
      tpu.enqueue_dma source(%arg20 : memref<128x128xf32, #tpu.memory_space<vmem>>) target(%dma_start3A_141 : memref<128x128xf32, #tpu.memory_space<vmem_shared>>) target_semaphore(%run_scoped3A : memref<!tpu.dma_semaphore, #tpu.memory_space<semaphore_mem>>)
      %dma_wait3A = arith.constant 0 : i32
      %dma_wait3A_142 = tpu.memref_slice %arg21[%add3A_15, %dma_wait3A] : memref<10240x128xf32, #tpu.memory_space<vmem_shared>> -> memref<128x128xf32, #tpu.memory_space<vmem_shared>>
      %dma_wait3A_143 = arith.constant 0 : i32
      %dma_wait3A_144 = tpu.memref_slice %arg21[%add3A_15, %dma_wait3A_143] : memref<10240x128xf32, #tpu.memory_space<vmem_shared>> -> memref<128x128xf32, #tpu.memory_space<vmem_shared>>
      tpu.wait_dma2 semaphore(%run_scoped3A : memref<!tpu.dma_semaphore, #tpu.memory_space<semaphore_mem>>) src(%arg20 : memref<128x128xf32, #tpu.memory_space<vmem>>) dst(%dma_wait3A_144 : memref<128x128xf32, #tpu.memory_space<vmem_shared>>)
      tpu.yield
    }) : () -> ()
    %mul3A_16 = arith.constant 640 : i32
    %mul3A_17 = arith.muli %arg1, %mul3A_16 : i32
    %add3A_18 = arith.constant 256 : i32
    %add3A_19 = arith.addi %mul3A_17, %add3A_18 : i32
    "tpu.region"() ({
      %run_scoped3A = tpu.sem_alloc : memref<!tpu.dma_semaphore, #tpu.memory_space<semaphore_mem>>
      %dma_start3A = arith.constant 0 : i32
      %dma_start3A_139 = tpu.memref_slice %arg21[%add3A_19, %dma_start3A] : memref<10240x128xf32, #tpu.memory_space<vmem_shared>> -> memref<128x128xf32, #tpu.memory_space<vmem_shared>>
      %dma_start3A_140 = arith.constant 0 : i32
      %dma_start3A_141 = tpu.memref_slice %arg21[%add3A_19, %dma_start3A_140] : memref<10240x128xf32, #tpu.memory_space<vmem_shared>> -> memref<128x128xf32, #tpu.memory_space<vmem_shared>>
      tpu.enqueue_dma source(%arg20 : memref<128x128xf32, #tpu.memory_space<vmem>>) target(%dma_start3A_141 : memref<128x128xf32, #tpu.memory_space<vmem_shared>>) target_semaphore(%run_scoped3A : memref<!tpu.dma_semaphore, #tpu.memory_space<semaphore_mem>>)
      %dma_wait3A = arith.constant 0 : i32
      %dma_wait3A_142 = tpu.memref_slice %arg21[%add3A_19, %dma_wait3A] : memref<10240x128xf32, #tpu.memory_space<vmem_shared>> -> memref<128x128xf32, #tpu.memory_space<vmem_shared>>
      %dma_wait3A_143 = arith.constant 0 : i32
      %dma_wait3A_144 = tpu.memref_slice %arg21[%add3A_19, %dma_wait3A_143] : memref<10240x128xf32, #tpu.memory_space<vmem_shared>> -> memref<128x128xf32, #tpu.memory_space<vmem_shared>>
      tpu.wait_dma2 semaphore(%run_scoped3A : memref<!tpu.dma_semaphore, #tpu.memory_space<semaphore_mem>>) src(%arg20 : memref<128x128xf32, #tpu.memory_space<vmem>>) dst(%dma_wait3A_144 : memref<128x128xf32, #tpu.memory_space<vmem_shared>>)
      tpu.yield
    }) : () -> ()
    %mul3A_20 = arith.constant 640 : i32
    %mul3A_21 = arith.muli %arg1, %mul3A_20 : i32
    %add3A_22 = arith.constant 384 : i32
    %add3A_23 = arith.addi %mul3A_21, %add3A_22 : i32
    "tpu.region"() ({
      %run_scoped3A = tpu.sem_alloc : memref<!tpu.dma_semaphore, #tpu.memory_space<semaphore_mem>>
      %dma_start3A = arith.constant 0 : i32
      %dma_start3A_139 = tpu.memref_slice %arg21[%add3A_23, %dma_start3A] : memref<10240x128xf32, #tpu.memory_space<vmem_shared>> -> memref<128x128xf32, #tpu.memory_space<vmem_shared>>
      %dma_start3A_140 = arith.constant 0 : i32
      %dma_start3A_141 = tpu.memref_slice %arg21[%add3A_23, %dma_start3A_140] : memref<10240x128xf32, #tpu.memory_space<vmem_shared>> -> memref<128x128xf32, #tpu.memory_space<vmem_shared>>
      tpu.enqueue_dma source(%arg20 : memref<128x128xf32, #tpu.memory_space<vmem>>) target(%dma_start3A_141 : memref<128x128xf32, #tpu.memory_space<vmem_shared>>) target_semaphore(%run_scoped3A : memref<!tpu.dma_semaphore, #tpu.memory_space<semaphore_mem>>)
      %dma_wait3A = arith.constant 0 : i32
      %dma_wait3A_142 = tpu.memref_slice %arg21[%add3A_23, %dma_wait3A] : memref<10240x128xf32, #tpu.memory_space<vmem_shared>> -> memref<128x128xf32, #tpu.memory_space<vmem_shared>>
      %dma_wait3A_143 = arith.constant 0 : i32
      %dma_wait3A_144 = tpu.memref_slice %arg21[%add3A_23, %dma_wait3A_143] : memref<10240x128xf32, #tpu.memory_space<vmem_shared>> -> memref<128x128xf32, #tpu.memory_space<vmem_shared>>
      tpu.wait_dma2 semaphore(%run_scoped3A : memref<!tpu.dma_semaphore, #tpu.memory_space<semaphore_mem>>) src(%arg20 : memref<128x128xf32, #tpu.memory_space<vmem>>) dst(%dma_wait3A_144 : memref<128x128xf32, #tpu.memory_space<vmem_shared>>)
      tpu.yield
    }) : () -> ()
    %mul3A_24 = arith.constant 640 : i32
    %mul3A_25 = arith.muli %arg1, %mul3A_24 : i32
    %add3A_26 = arith.constant 512 : i32
    %add3A_27 = arith.addi %mul3A_25, %add3A_26 : i32
    "tpu.region"() ({
      %run_scoped3A = tpu.sem_alloc : memref<!tpu.dma_semaphore, #tpu.memory_space<semaphore_mem>>
      %dma_start3A = arith.constant 0 : i32
      %dma_start3A_139 = tpu.memref_slice %arg21[%add3A_27, %dma_start3A] : memref<10240x128xf32, #tpu.memory_space<vmem_shared>> -> memref<128x128xf32, #tpu.memory_space<vmem_shared>>
      %dma_start3A_140 = arith.constant 0 : i32
      %dma_start3A_141 = tpu.memref_slice %arg21[%add3A_27, %dma_start3A_140] : memref<10240x128xf32, #tpu.memory_space<vmem_shared>> -> memref<128x128xf32, #tpu.memory_space<vmem_shared>>
      tpu.enqueue_dma source(%arg20 : memref<128x128xf32, #tpu.memory_space<vmem>>) target(%dma_start3A_141 : memref<128x128xf32, #tpu.memory_space<vmem_shared>>) target_semaphore(%run_scoped3A : memref<!tpu.dma_semaphore, #tpu.memory_space<semaphore_mem>>)
      %dma_wait3A = arith.constant 0 : i32
      %dma_wait3A_142 = tpu.memref_slice %arg21[%add3A_27, %dma_wait3A] : memref<10240x128xf32, #tpu.memory_space<vmem_shared>> -> memref<128x128xf32, #tpu.memory_space<vmem_shared>>
      %dma_wait3A_143 = arith.constant 0 : i32
      %dma_wait3A_144 = tpu.memref_slice %arg21[%add3A_27, %dma_wait3A_143] : memref<10240x128xf32, #tpu.memory_space<vmem_shared>> -> memref<128x128xf32, #tpu.memory_space<vmem_shared>>
      tpu.wait_dma2 semaphore(%run_scoped3A : memref<!tpu.dma_semaphore, #tpu.memory_space<semaphore_mem>>) src(%arg20 : memref<128x128xf32, #tpu.memory_space<vmem>>) dst(%dma_wait3A_144 : memref<128x128xf32, #tpu.memory_space<vmem_shared>>)
      tpu.yield
    }) : () -> ()
    %barrier3A = arith.constant 0 : index
    tpu.barrier barrier_id(%barrier3A)
    %scan3A_28 = arith.constant 0 : i32
    %scan3A_29 = arith.constant 0 : i32
    %scan3A_30 = arith.constant 125 : i32
    %scan3A_31 = arith.addi %scan3A_29, %scan3A_30 : i32
    %scan3A_32 = arith.constant 1 : i32
    scf.for %scan3A_139 = %scan3A_29 to %scan3A_31 step %scan3A_32  : i32 {
      %mul3A_140 = arith.constant 80 : i32
      %mul3A_141 = arith.muli %scan3A_139, %mul3A_140 : i32
      %add3A_142 = arith.addi %mul3A_2, %mul3A_141 : i32
      "tpu.region"() ({
        %run_scoped3A = tpu.sem_alloc : memref<!tpu.dma_semaphore, #tpu.memory_space<semaphore_mem>>
        %dma_start3A_153 = tpu.memref_slice %arg2[%add3A_142] : memref<320000xi32, #tpu.memory_space<hbm>> -> memref<80xi32, #tpu.memory_space<hbm>>
        %dma_start3A_154 = tpu.memref_slice %arg2[%add3A_142] : memref<320000xi32, #tpu.memory_space<hbm>> -> memref<80xi32, #tpu.memory_space<hbm>>
        tpu.enqueue_dma source(%dma_start3A_154 : memref<80xi32, #tpu.memory_space<hbm>>) target(%arg16 : memref<80xi32, #tpu.memory_space<vmem>>) target_semaphore(%run_scoped3A : memref<!tpu.dma_semaphore, #tpu.memory_space<semaphore_mem>>)
        %dma_wait3A_155 = tpu.memref_slice %arg2[%add3A_142] : memref<320000xi32, #tpu.memory_space<hbm>> -> memref<80xi32, #tpu.memory_space<hbm>>
        %dma_wait3A_156 = tpu.memref_slice %arg2[%add3A_142] : memref<320000xi32, #tpu.memory_space<hbm>> -> memref<80xi32, #tpu.memory_space<hbm>>
        tpu.wait_dma2 semaphore(%run_scoped3A : memref<!tpu.dma_semaphore, #tpu.memory_space<semaphore_mem>>) src(%dma_wait3A_156 : memref<80xi32, #tpu.memory_space<hbm>>) dst(%arg16 : memref<80xi32, #tpu.memory_space<vmem>>)
        tpu.yield
      }) : () -> ()
      "tpu.region"() ({
        %run_scoped3A = tpu.sem_alloc : memref<!tpu.dma_semaphore, #tpu.memory_space<semaphore_mem>>
        %dma_start3A_153 = tpu.memref_slice %arg3[%add3A_142] : memref<320000xi32, #tpu.memory_space<hbm>> -> memref<80xi32, #tpu.memory_space<hbm>>
        %dma_start3A_154 = tpu.memref_slice %arg3[%add3A_142] : memref<320000xi32, #tpu.memory_space<hbm>> -> memref<80xi32, #tpu.memory_space<hbm>>
        tpu.enqueue_dma source(%dma_start3A_154 : memref<80xi32, #tpu.memory_space<hbm>>) target(%arg17 : memref<80xi32, #tpu.memory_space<vmem>>) target_semaphore(%run_scoped3A : memref<!tpu.dma_semaphore, #tpu.memory_space<semaphore_mem>>)
        %dma_wait3A_155 = tpu.memref_slice %arg3[%add3A_142] : memref<320000xi32, #tpu.memory_space<hbm>> -> memref<80xi32, #tpu.memory_space<hbm>>
        %dma_wait3A_156 = tpu.memref_slice %arg3[%add3A_142] : memref<320000xi32, #tpu.memory_space<hbm>> -> memref<80xi32, #tpu.memory_space<hbm>>
        tpu.wait_dma2 semaphore(%run_scoped3A : memref<!tpu.dma_semaphore, #tpu.memory_space<semaphore_mem>>) src(%dma_wait3A_156 : memref<80xi32, #tpu.memory_space<hbm>>) dst(%arg17 : memref<80xi32, #tpu.memory_space<vmem>>)
        tpu.yield
      }) : () -> ()
      %dma_start3A = arith.constant 0 : i32
      %dma_start3A_143 = arith.constant 0 : i32
      %dma_start3A_144 = tpu.memref_slice %arg4[%dma_start3A, %dma_start3A_143] : memref<10000x128xf32, #tpu.memory_space<hbm>> -> memref<10000x128xf32, #tpu.memory_space<hbm>>
      tpu.enqueue_indirect_dma source(%dma_start3A_144 : memref<10000x128xf32, #tpu.memory_space<hbm>>) target(%arg18 : memref<80x128xf32, #tpu.memory_space<vmem>>) offsets(%arg16 : memref<80xi32, #tpu.memory_space<vmem>>) semaphore(%arg22 : memref<!tpu.dma_semaphore, #tpu.memory_space<semaphore_mem>>)
      %dma_wait3A = arith.constant 0 : i32
      %dma_wait3A_145 = arith.constant 0 : i32
      %dma_wait3A_146 = tpu.memref_slice %arg4[%dma_wait3A, %dma_wait3A_145] : memref<10000x128xf32, #tpu.memory_space<hbm>> -> memref<10000x128xf32, #tpu.memory_space<hbm>>
      tpu.wait_indirect_dma semaphore(%arg22 : memref<!tpu.dma_semaphore, #tpu.memory_space<semaphore_mem>>) src(%dma_wait3A_146 : memref<10000x128xf32, #tpu.memory_space<hbm>>) dst(%arg18 : memref<80x128xf32, #tpu.memory_space<vmem>>)
      "tpu.region"() ({
        %run_scoped3A = tpu.sem_alloc : memref<!tpu.dma_semaphore, #tpu.memory_space<semaphore_mem>>
        %dma_start3A_153 = arith.constant 0 : i32
        %dma_start3A_154 = tpu.memref_slice %arg8[%add3A_142, %dma_start3A_153] : memref<320000x128xf32, #tpu.memory_space<hbm>> -> memref<80x128xf32, #tpu.memory_space<hbm>>
        %dma_start3A_155 = arith.constant 0 : i32
        %dma_start3A_156 = tpu.memref_slice %arg8[%add3A_142, %dma_start3A_155] : memref<320000x128xf32, #tpu.memory_space<hbm>> -> memref<80x128xf32, #tpu.memory_space<hbm>>
        tpu.enqueue_dma source(%dma_start3A_156 : memref<80x128xf32, #tpu.memory_space<hbm>>) target(%arg19 : memref<80x128xf32, #tpu.memory_space<vmem>>) target_semaphore(%run_scoped3A : memref<!tpu.dma_semaphore, #tpu.memory_space<semaphore_mem>>)
        %dma_wait3A_157 = arith.constant 0 : i32
        %dma_wait3A_158 = tpu.memref_slice %arg8[%add3A_142, %dma_wait3A_157] : memref<320000x128xf32, #tpu.memory_space<hbm>> -> memref<80x128xf32, #tpu.memory_space<hbm>>
        %dma_wait3A_159 = arith.constant 0 : i32
        %dma_wait3A_160 = tpu.memref_slice %arg8[%add3A_142, %dma_wait3A_159] : memref<320000x128xf32, #tpu.memory_space<hbm>> -> memref<80x128xf32, #tpu.memory_space<hbm>>
        tpu.wait_dma2 semaphore(%run_scoped3A : memref<!tpu.dma_semaphore, #tpu.memory_space<semaphore_mem>>) src(%dma_wait3A_160 : memref<80x128xf32, #tpu.memory_space<hbm>>) dst(%arg19 : memref<80x128xf32, #tpu.memory_space<vmem>>)
        tpu.yield
      }) : () -> ()
      %scan3A_147 = arith.constant 0 : i32
      %scan3A_148 = arith.constant 0 : i32
      %scan3A_149 = arith.constant 80 : i32
      %scan3A_150 = arith.addi %scan3A_148, %scan3A_149 : i32
      %scan3A_151 = arith.constant 1 : i32
      scf.for %scan3A_153 = %scan3A_148 to %scan3A_150 step %scan3A_151  : i32 {
        %get3A = arith.index_cast %scan3A_153 : i32 to index
        %get3A_154 = arith.constant 0 : index
        %get3A_155 = tpu.vector_load %arg18[%get3A, %get3A_154] {strides = array<i32>} : memref<80x128xf32, #tpu.memory_space<vmem>>, vector<1x16xf32>,
        %get3A_156 = vector.shape_cast %get3A_155 : vector<1x16xf32> to vector<16xf32>
        %get3A_157 = arith.index_cast %scan3A_153 : i32 to index
        %get3A_158 = arith.constant 0 : index
        %get3A_159 = tpu.vector_load %arg19[%get3A_157, %get3A_158] {strides = array<i32>} : memref<80x128xf32, #tpu.memory_space<vmem>>, vector<1x16xf32>,
        %get3A_160 = vector.shape_cast %get3A_159 : vector<1x16xf32> to vector<16xf32>
        %add3A_161 = arith.addf %get3A_156, %get3A_160 : vector<16xf32>
        %max3A = arith.constant 0.000000e+00 : f32
        %max3A_162 = vector.broadcast %max3A : f32 to vector<16xf32>
        %max3A_163 = arith.maximumf %add3A_161, %max3A_162 : vector<16xf32>
        %swap3A = arith.index_cast %scan3A_153 : i32 to index
        %swap3A_164 = arith.constant 0 : index
        %swap3A_165 = tpu.vector_load %arg18[%swap3A, %swap3A_164] {strides = array<i32>} : memref<80x128xf32, #tpu.memory_space<vmem>>, vector<1x16xf32>,
        %swap3A_166 = vector.shape_cast %swap3A_165 : vector<1x16xf32> to vector<16xf32>
        %swap3A_167 = vector.shape_cast %max3A_163 : vector<16xf32> to vector<1x16xf32>
        tpu.vector_store %arg18[%swap3A, %swap3A_164], %swap3A_167 {strides = array<i32>} : memref<80x128xf32, #tpu.memory_space<vmem>>, vector<1x16xf32>,
        %get3A_168 = arith.index_cast %scan3A_153 : i32 to index
        %get3A_169 = arith.constant 16 : index
        %get3A_170 = tpu.vector_load %arg18[%get3A_168, %get3A_169] {strides = array<i32>} : memref<80x128xf32, #tpu.memory_space<vmem>>, vector<1x16xf32>,
        %get3A_171 = vector.shape_cast %get3A_170 : vector<1x16xf32> to vector<16xf32>
        %get3A_172 = arith.index_cast %scan3A_153 : i32 to index
        %get3A_173 = arith.constant 16 : index
        %get3A_174 = tpu.vector_load %arg19[%get3A_172, %get3A_173] {strides = array<i32>} : memref<80x128xf32, #tpu.memory_space<vmem>>, vector<1x16xf32>,
        %get3A_175 = vector.shape_cast %get3A_174 : vector<1x16xf32> to vector<16xf32>
        %add3A_176 = arith.addf %get3A_171, %get3A_175 : vector<16xf32>
        %max3A_177 = arith.constant 0.000000e+00 : f32
        %max3A_178 = vector.broadcast %max3A_177 : f32 to vector<16xf32>
        %max3A_179 = arith.maximumf %add3A_176, %max3A_178 : vector<16xf32>
        %swap3A_180 = arith.index_cast %scan3A_153 : i32 to index
        %swap3A_181 = arith.constant 16 : index
        %swap3A_182 = tpu.vector_load %arg18[%swap3A_180, %swap3A_181] {strides = array<i32>} : memref<80x128xf32, #tpu.memory_space<vmem>>, vector<1x16xf32>,
        %swap3A_183 = vector.shape_cast %swap3A_182 : vector<1x16xf32> to vector<16xf32>
        %swap3A_184 = vector.shape_cast %max3A_179 : vector<16xf32> to vector<1x16xf32>
        tpu.vector_store %arg18[%swap3A_180, %swap3A_181], %swap3A_184 {strides = array<i32>} : memref<80x128xf32, #tpu.memory_space<vmem>>, vector<1x16xf32>,
        %get3A_185 = arith.index_cast %scan3A_153 : i32 to index
        %get3A_186 = arith.constant 32 : index
        %get3A_187 = tpu.vector_load %arg18[%get3A_185, %get3A_186] {strides = array<i32>} : memref<80x128xf32, #tpu.memory_space<vmem>>, vector<1x16xf32>,
        %get3A_188 = vector.shape_cast %get3A_187 : vector<1x16xf32> to vector<16xf32>
        %get3A_189 = arith.index_cast %scan3A_153 : i32 to index
        %get3A_190 = arith.constant 32 : index
        %get3A_191 = tpu.vector_load %arg19[%get3A_189, %get3A_190] {strides = array<i32>} : memref<80x128xf32, #tpu.memory_space<vmem>>, vector<1x16xf32>,
        %get3A_192 = vector.shape_cast %get3A_191 : vector<1x16xf32> to vector<16xf32>
        %add3A_193 = arith.addf %get3A_188, %get3A_192 : vector<16xf32>
        %max3A_194 = arith.constant 0.000000e+00 : f32
        %max3A_195 = vector.broadcast %max3A_194 : f32 to vector<16xf32>
        %max3A_196 = arith.maximumf %add3A_193, %max3A_195 : vector<16xf32>
        %swap3A_197 = arith.index_cast %scan3A_153 : i32 to index
        %swap3A_198 = arith.constant 32 : index
        %swap3A_199 = tpu.vector_load %arg18[%swap3A_197, %swap3A_198] {strides = array<i32>} : memref<80x128xf32, #tpu.memory_space<vmem>>, vector<1x16xf32>,
        %swap3A_200 = vector.shape_cast %swap3A_199 : vector<1x16xf32> to vector<16xf32>
        %swap3A_201 = vector.shape_cast %max3A_196 : vector<16xf32> to vector<1x16xf32>
        tpu.vector_store %arg18[%swap3A_197, %swap3A_198], %swap3A_201 {strides = array<i32>} : memref<80x128xf32, #tpu.memory_space<vmem>>, vector<1x16xf32>,
        %get3A_202 = arith.index_cast %scan3A_153 : i32 to index
        %get3A_203 = arith.constant 48 : index
        %get3A_204 = tpu.vector_load %arg18[%get3A_202, %get3A_203] {strides = array<i32>} : memref<80x128xf32, #tpu.memory_space<vmem>>, vector<1x16xf32>,
        %get3A_205 = vector.shape_cast %get3A_204 : vector<1x16xf32> to vector<16xf32>
        %get3A_206 = arith.index_cast %scan3A_153 : i32 to index
        %get3A_207 = arith.constant 48 : index
        %get3A_208 = tpu.vector_load %arg19[%get3A_206, %get3A_207] {strides = array<i32>} : memref<80x128xf32, #tpu.memory_space<vmem>>, vector<1x16xf32>,
        %get3A_209 = vector.shape_cast %get3A_208 : vector<1x16xf32> to vector<16xf32>
        %add3A_210 = arith.addf %get3A_205, %get3A_209 : vector<16xf32>
        %max3A_211 = arith.constant 0.000000e+00 : f32
        %max3A_212 = vector.broadcast %max3A_211 : f32 to vector<16xf32>
        %max3A_213 = arith.maximumf %add3A_210, %max3A_212 : vector<16xf32>
        %swap3A_214 = arith.index_cast %scan3A_153 : i32 to index
        %swap3A_215 = arith.constant 48 : index
        %swap3A_216 = tpu.vector_load %arg18[%swap3A_214, %swap3A_215] {strides = array<i32>} : memref<80x128xf32, #tpu.memory_space<vmem>>, vector<1x16xf32>,
        %swap3A_217 = vector.shape_cast %swap3A_216 : vector<1x16xf32> to vector<16xf32>
        %swap3A_218 = vector.shape_cast %max3A_213 : vector<16xf32> to vector<1x16xf32>
        tpu.vector_store %arg18[%swap3A_214, %swap3A_215], %swap3A_218 {strides = array<i32>} : memref<80x128xf32, #tpu.memory_space<vmem>>, vector<1x16xf32>,
        %get3A_219 = arith.index_cast %scan3A_153 : i32 to index
        %get3A_220 = arith.constant 64 : index
        %get3A_221 = tpu.vector_load %arg18[%get3A_219, %get3A_220] {strides = array<i32>} : memref<80x128xf32, #tpu.memory_space<vmem>>, vector<1x16xf32>,
        %get3A_222 = vector.shape_cast %get3A_221 : vector<1x16xf32> to vector<16xf32>
        %get3A_223 = arith.index_cast %scan3A_153 : i32 to index
        %get3A_224 = arith.constant 64 : index
        %get3A_225 = tpu.vector_load %arg19[%get3A_223, %get3A_224] {strides = array<i32>} : memref<80x128xf32, #tpu.memory_space<vmem>>, vector<1x16xf32>,
        %get3A_226 = vector.shape_cast %get3A_225 : vector<1x16xf32> to vector<16xf32>
        %add3A_227 = arith.addf %get3A_222, %get3A_226 : vector<16xf32>
        %max3A_228 = arith.constant 0.000000e+00 : f32
        %max3A_229 = vector.broadcast %max3A_228 : f32 to vector<16xf32>
        %max3A_230 = arith.maximumf %add3A_227, %max3A_229 : vector<16xf32>
        %swap3A_231 = arith.index_cast %scan3A_153 : i32 to index
        %swap3A_232 = arith.constant 64 : index
        %swap3A_233 = tpu.vector_load %arg18[%swap3A_231, %swap3A_232] {strides = array<i32>} : memref<80x128xf32, #tpu.memory_space<vmem>>, vector<1x16xf32>,
        %swap3A_234 = vector.shape_cast %swap3A_233 : vector<1x16xf32> to vector<16xf32>
        %swap3A_235 = vector.shape_cast %max3A_230 : vector<16xf32> to vector<1x16xf32>
        tpu.vector_store %arg18[%swap3A_231, %swap3A_232], %swap3A_235 {strides = array<i32>} : memref<80x128xf32, #tpu.memory_space<vmem>>, vector<1x16xf32>,
        %get3A_236 = arith.index_cast %scan3A_153 : i32 to index
        %get3A_237 = arith.constant 80 : index
        %get3A_238 = tpu.vector_load %arg18[%get3A_236, %get3A_237] {strides = array<i32>} : memref<80x128xf32, #tpu.memory_space<vmem>>, vector<1x16xf32>,
        %get3A_239 = vector.shape_cast %get3A_238 : vector<1x16xf32> to vector<16xf32>
        %get3A_240 = arith.index_cast %scan3A_153 : i32 to index
        %get3A_241 = arith.constant 80 : index
        %get3A_242 = tpu.vector_load %arg19[%get3A_240, %get3A_241] {strides = array<i32>} : memref<80x128xf32, #tpu.memory_space<vmem>>, vector<1x16xf32>,
        %get3A_243 = vector.shape_cast %get3A_242 : vector<1x16xf32> to vector<16xf32>
        %add3A_244 = arith.addf %get3A_239, %get3A_243 : vector<16xf32>
        %max3A_245 = arith.constant 0.000000e+00 : f32
        %max3A_246 = vector.broadcast %max3A_245 : f32 to vector<16xf32>
        %max3A_247 = arith.maximumf %add3A_244, %max3A_246 : vector<16xf32>
        %swap3A_248 = arith.index_cast %scan3A_153 : i32 to index
        %swap3A_249 = arith.constant 80 : index
        %swap3A_250 = tpu.vector_load %arg18[%swap3A_248, %swap3A_249] {strides = array<i32>} : memref<80x128xf32, #tpu.memory_space<vmem>>, vector<1x16xf32>,
        %swap3A_251 = vector.shape_cast %swap3A_250 : vector<1x16xf32> to vector<16xf32>
        %swap3A_252 = vector.shape_cast %max3A_247 : vector<16xf32> to vector<1x16xf32>
        tpu.vector_store %arg18[%swap3A_248, %swap3A_249], %swap3A_252 {strides = array<i32>} : memref<80x128xf32, #tpu.memory_space<vmem>>, vector<1x16xf32>,
        %get3A_253 = arith.index_cast %scan3A_153 : i32 to index
        %get3A_254 = arith.constant 96 : index
        %get3A_255 = tpu.vector_load %arg18[%get3A_253, %get3A_254] {strides = array<i32>} : memref<80x128xf32, #tpu.memory_space<vmem>>, vector<1x16xf32>,
        %get3A_256 = vector.shape_cast %get3A_255 : vector<1x16xf32> to vector<16xf32>
        %get3A_257 = arith.index_cast %scan3A_153 : i32 to index
        %get3A_258 = arith.constant 96 : index
        %get3A_259 = tpu.vector_load %arg19[%get3A_257, %get3A_258] {strides = array<i32>} : memref<80x128xf32, #tpu.memory_space<vmem>>, vector<1x16xf32>,
        %get3A_260 = vector.shape_cast %get3A_259 : vector<1x16xf32> to vector<16xf32>
        %add3A_261 = arith.addf %get3A_256, %get3A_260 : vector<16xf32>
        %max3A_262 = arith.constant 0.000000e+00 : f32
        %max3A_263 = vector.broadcast %max3A_262 : f32 to vector<16xf32>
        %max3A_264 = arith.maximumf %add3A_261, %max3A_263 : vector<16xf32>
        %swap3A_265 = arith.index_cast %scan3A_153 : i32 to index
        %swap3A_266 = arith.constant 96 : index
        %swap3A_267 = tpu.vector_load %arg18[%swap3A_265, %swap3A_266] {strides = array<i32>} : memref<80x128xf32, #tpu.memory_space<vmem>>, vector<1x16xf32>,
        %swap3A_268 = vector.shape_cast %swap3A_267 : vector<1x16xf32> to vector<16xf32>
        %swap3A_269 = vector.shape_cast %max3A_264 : vector<16xf32> to vector<1x16xf32>
        tpu.vector_store %arg18[%swap3A_265, %swap3A_266], %swap3A_269 {strides = array<i32>} : memref<80x128xf32, #tpu.memory_space<vmem>>, vector<1x16xf32>,
        %get3A_270 = arith.index_cast %scan3A_153 : i32 to index
        %get3A_271 = arith.constant 112 : index
        %get3A_272 = tpu.vector_load %arg18[%get3A_270, %get3A_271] {strides = array<i32>} : memref<80x128xf32, #tpu.memory_space<vmem>>, vector<1x16xf32>,
        %get3A_273 = vector.shape_cast %get3A_272 : vector<1x16xf32> to vector<16xf32>
        %get3A_274 = arith.index_cast %scan3A_153 : i32 to index
        %get3A_275 = arith.constant 112 : index
        %get3A_276 = tpu.vector_load %arg19[%get3A_274, %get3A_275] {strides = array<i32>} : memref<80x128xf32, #tpu.memory_space<vmem>>, vector<1x16xf32>,
        %get3A_277 = vector.shape_cast %get3A_276 : vector<1x16xf32> to vector<16xf32>
        %add3A_278 = arith.addf %get3A_273, %get3A_277 : vector<16xf32>
        %max3A_279 = arith.constant 0.000000e+00 : f32
        %max3A_280 = vector.broadcast %max3A_279 : f32 to vector<16xf32>
        %max3A_281 = arith.maximumf %add3A_278, %max3A_280 : vector<16xf32>
        %swap3A_282 = arith.index_cast %scan3A_153 : i32 to index
        %swap3A_283 = arith.constant 112 : index
        %swap3A_284 = tpu.vector_load %arg18[%swap3A_282, %swap3A_283] {strides = array<i32>} : memref<80x128xf32, #tpu.memory_space<vmem>>, vector<1x16xf32>,
        %swap3A_285 = vector.shape_cast %swap3A_284 : vector<1x16xf32> to vector<16xf32>
        %swap3A_286 = vector.shape_cast %max3A_281 : vector<16xf32> to vector<1x16xf32>
        tpu.vector_store %arg18[%swap3A_282, %swap3A_283], %swap3A_286 {strides = array<i32>} : memref<80x128xf32, #tpu.memory_space<vmem>>, vector<1x16xf32>,
      }
      %scan3A_152 = arith.constant 80 : i32
      "tpu.region"() ({
        %run_scoped3A = tpu.sem_alloc : memref<!tpu.dma_semaphore, #tpu.memory_space<semaphore_mem>>
        %dma_start3A_153 = arith.constant 0 : i32
        %dma_start3A_154 = arith.constant 0 : i32
        %dma_start3A_155 = tpu.memref_slice %arg21[%dma_start3A_153, %dma_start3A_154] : memref<10240x128xf32, #tpu.memory_space<vmem_shared>> -> memref<10240x128xf32, #tpu.memory_space<vmem_shared>>
        tpu.enqueue_indirect_dma source(%arg18 : memref<80x128xf32, #tpu.memory_space<vmem>>) target(%dma_start3A_155 : memref<10240x128xf32, #tpu.memory_space<vmem_shared>>) offsets(%arg17 : memref<80xi32, #tpu.memory_space<vmem>>) semaphore(%run_scoped3A : memref<!tpu.dma_semaphore, #tpu.memory_space<semaphore_mem>>) {add = true}
        %dma_wait3A_156 = arith.constant 0 : i32
        %dma_wait3A_157 = arith.constant 0 : i32
        %dma_wait3A_158 = tpu.memref_slice %arg21[%dma_wait3A_156, %dma_wait3A_157] : memref<10240x128xf32, #tpu.memory_space<vmem_shared>> -> memref<10240x128xf32, #tpu.memory_space<vmem_shared>>
        tpu.wait_indirect_dma semaphore(%run_scoped3A : memref<!tpu.dma_semaphore, #tpu.memory_space<semaphore_mem>>) src(%arg18 : memref<80x128xf32, #tpu.memory_space<vmem>>) dst(%dma_wait3A_158 : memref<10240x128xf32, #tpu.memory_space<vmem_shared>>)
        tpu.yield
      }) : () -> ()
    }
    %scan3A_33 = arith.constant 125 : i32
    %barrier3A_34 = arith.constant 0 : index
    tpu.barrier barrier_id(%barrier3A_34)
    %mul3A_35 = arith.constant 640 : i32
    %mul3A_36 = arith.muli %arg1, %mul3A_35 : i32
    %mul3A_37 = arith.constant 640 : i32
    %mul3A_38 = arith.muli %arg1, %mul3A_37 : i32
    "tpu.region"() ({
      %run_scoped3A = tpu.sem_alloc : memref<!tpu.dma_semaphore, #tpu.memory_space<semaphore_mem>>
      %dma_start3A = arith.constant 0 : i32
      %dma_start3A_139 = tpu.memref_slice %arg12[%arg0, %mul3A_38, %dma_start3A] : memref<2x10240x128xf32, #tpu.memory_space<hbm>> -> memref<1x640x128xf32, #tpu.memory_space<hbm>>
      %dma_start3A_140 = tpu.memref_squeeze %dma_start3A_139 : memref<1x640x128xf32, #tpu.memory_space<hbm>> -> memref<640x128xf32, #tpu.memory_space<hbm>>
      %dma_start3A_141 = arith.constant 0 : i32
      %dma_start3A_142 = tpu.memref_slice %arg21[%mul3A_36, %dma_start3A_141] : memref<10240x128xf32, #tpu.memory_space<vmem_shared>> -> memref<640x128xf32, #tpu.memory_space<vmem_shared>>
      tpu.enqueue_dma source(%dma_start3A_142 : memref<640x128xf32, #tpu.memory_space<vmem_shared>>) target(%dma_start3A_140 : memref<640x128xf32, #tpu.memory_space<hbm>>) target_semaphore(%run_scoped3A : memref<!tpu.dma_semaphore, #tpu.memory_space<semaphore_mem>>)
      %dma_wait3A = arith.constant 0 : i32
      %dma_wait3A_143 = tpu.memref_slice %arg12[%arg0, %mul3A_38, %dma_wait3A] : memref<2x10240x128xf32, #tpu.memory_space<hbm>> -> memref<1x640x128xf32, #tpu.memory_space<hbm>>
      %dma_wait3A_144 = tpu.memref_squeeze %dma_wait3A_143 : memref<1x640x128xf32, #tpu.memory_space<hbm>> -> memref<640x128xf32, #tpu.memory_space<hbm>>
      %dma_wait3A_145 = arith.constant 0 : i32
      %dma_wait3A_146 = tpu.memref_slice %arg21[%mul3A_36, %dma_wait3A_145] : memref<10240x128xf32, #tpu.memory_space<vmem_shared>> -> memref<640x128xf32, #tpu.memory_space<vmem_shared>>
      tpu.wait_dma2 semaphore(%run_scoped3A : memref<!tpu.dma_semaphore, #tpu.memory_space<semaphore_mem>>) src(%dma_wait3A_146 : memref<640x128xf32, #tpu.memory_space<vmem_shared>>) dst(%dma_wait3A_144 : memref<640x128xf32, #tpu.memory_space<hbm>>)
      tpu.yield
    }) : () -> ()
    %barrier3A_39 = arith.constant 0 : index
    tpu.barrier barrier_id(%barrier3A_39)
    %mul3A_40 = arith.constant 640 : i32
    %mul3A_41 = arith.muli %arg1, %mul3A_40 : i32
    %add3A_42 = arith.constant 0 : i32
    %add3A_43 = arith.addi %mul3A_41, %add3A_42 : i32
    "tpu.region"() ({
      %run_scoped3A = tpu.sem_alloc : memref<!tpu.dma_semaphore, #tpu.memory_space<semaphore_mem>>
      %dma_start3A = arith.constant 0 : i32
      %dma_start3A_139 = tpu.memref_slice %arg21[%add3A_43, %dma_start3A] : memref<10240x128xf32, #tpu.memory_space<vmem_shared>> -> memref<128x128xf32, #tpu.memory_space<vmem_shared>>
      %dma_start3A_140 = arith.constant 0 : i32
      %dma_start3A_141 = tpu.memref_slice %arg21[%add3A_43, %dma_start3A_140] : memref<10240x128xf32, #tpu.memory_space<vmem_shared>> -> memref<128x128xf32, #tpu.memory_space<vmem_shared>>
      tpu.enqueue_dma source(%arg20 : memref<128x128xf32, #tpu.memory_space<vmem>>) target(%dma_start3A_141 : memref<128x128xf32, #tpu.memory_space<vmem_shared>>) target_semaphore(%run_scoped3A : memref<!tpu.dma_semaphore, #tpu.memory_space<semaphore_mem>>)
      %dma_wait3A = arith.constant 0 : i32
      %dma_wait3A_142 = tpu.memref_slice %arg21[%add3A_43, %dma_wait3A] : memref<10240x128xf32, #tpu.memory_space<vmem_shared>> -> memref<128x128xf32, #tpu.memory_space<vmem_shared>>
      %dma_wait3A_143 = arith.constant 0 : i32
      %dma_wait3A_144 = tpu.memref_slice %arg21[%add3A_43, %dma_wait3A_143] : memref<10240x128xf32, #tpu.memory_space<vmem_shared>> -> memref<128x128xf32, #tpu.memory_space<vmem_shared>>
      tpu.wait_dma2 semaphore(%run_scoped3A : memref<!tpu.dma_semaphore, #tpu.memory_space<semaphore_mem>>) src(%arg20 : memref<128x128xf32, #tpu.memory_space<vmem>>) dst(%dma_wait3A_144 : memref<128x128xf32, #tpu.memory_space<vmem_shared>>)
      tpu.yield
    }) : () -> ()
    %mul3A_44 = arith.constant 640 : i32
    %mul3A_45 = arith.muli %arg1, %mul3A_44 : i32
    %add3A_46 = arith.constant 128 : i32
    %add3A_47 = arith.addi %mul3A_45, %add3A_46 : i32
    "tpu.region"() ({
      %run_scoped3A = tpu.sem_alloc : memref<!tpu.dma_semaphore, #tpu.memory_space<semaphore_mem>>
      %dma_start3A = arith.constant 0 : i32
      %dma_start3A_139 = tpu.memref_slice %arg21[%add3A_47, %dma_start3A] : memref<10240x128xf32, #tpu.memory_space<vmem_shared>> -> memref<128x128xf32, #tpu.memory_space<vmem_shared>>
      %dma_start3A_140 = arith.constant 0 : i32
      %dma_start3A_141 = tpu.memref_slice %arg21[%add3A_47, %dma_start3A_140] : memref<10240x128xf32, #tpu.memory_space<vmem_shared>> -> memref<128x128xf32, #tpu.memory_space<vmem_shared>>
      tpu.enqueue_dma source(%arg20 : memref<128x128xf32, #tpu.memory_space<vmem>>) target(%dma_start3A_141 : memref<128x128xf32, #tpu.memory_space<vmem_shared>>) target_semaphore(%run_scoped3A : memref<!tpu.dma_semaphore, #tpu.memory_space<semaphore_mem>>)
      %dma_wait3A = arith.constant 0 : i32
      %dma_wait3A_142 = tpu.memref_slice %arg21[%add3A_47, %dma_wait3A] : memref<10240x128xf32, #tpu.memory_space<vmem_shared>> -> memref<128x128xf32, #tpu.memory_space<vmem_shared>>
      %dma_wait3A_143 = arith.constant 0 : i32
      %dma_wait3A_144 = tpu.memref_slice %arg21[%add3A_47, %dma_wait3A_143] : memref<10240x128xf32, #tpu.memory_space<vmem_shared>> -> memref<128x128xf32, #tpu.memory_space<vmem_shared>>
      tpu.wait_dma2 semaphore(%run_scoped3A : memref<!tpu.dma_semaphore, #tpu.memory_space<semaphore_mem>>) src(%arg20 : memref<128x128xf32, #tpu.memory_space<vmem>>) dst(%dma_wait3A_144 : memref<128x128xf32, #tpu.memory_space<vmem_shared>>)
      tpu.yield
    }) : () -> ()
    %mul3A_48 = arith.constant 640 : i32
    %mul3A_49 = arith.muli %arg1, %mul3A_48 : i32
    %add3A_50 = arith.constant 256 : i32
    %add3A_51 = arith.addi %mul3A_49, %add3A_50 : i32
    "tpu.region"() ({
      %run_scoped3A = tpu.sem_alloc : memref<!tpu.dma_semaphore, #tpu.memory_space<semaphore_mem>>
      %dma_start3A = arith.constant 0 : i32
      %dma_start3A_139 = tpu.memref_slice %arg21[%add3A_51, %dma_start3A] : memref<10240x128xf32, #tpu.memory_space<vmem_shared>> -> memref<128x128xf32, #tpu.memory_space<vmem_shared>>
      %dma_start3A_140 = arith.constant 0 : i32
      %dma_start3A_141 = tpu.memref_slice %arg21[%add3A_51, %dma_start3A_140] : memref<10240x128xf32, #tpu.memory_space<vmem_shared>> -> memref<128x128xf32, #tpu.memory_space<vmem_shared>>
      tpu.enqueue_dma source(%arg20 : memref<128x128xf32, #tpu.memory_space<vmem>>) target(%dma_start3A_141 : memref<128x128xf32, #tpu.memory_space<vmem_shared>>) target_semaphore(%run_scoped3A : memref<!tpu.dma_semaphore, #tpu.memory_space<semaphore_mem>>)
      %dma_wait3A = arith.constant 0 : i32
      %dma_wait3A_142 = tpu.memref_slice %arg21[%add3A_51, %dma_wait3A] : memref<10240x128xf32, #tpu.memory_space<vmem_shared>> -> memref<128x128xf32, #tpu.memory_space<vmem_shared>>
      %dma_wait3A_143 = arith.constant 0 : i32
      %dma_wait3A_144 = tpu.memref_slice %arg21[%add3A_51, %dma_wait3A_143] : memref<10240x128xf32, #tpu.memory_space<vmem_shared>> -> memref<128x128xf32, #tpu.memory_space<vmem_shared>>
      tpu.wait_dma2 semaphore(%run_scoped3A : memref<!tpu.dma_semaphore, #tpu.memory_space<semaphore_mem>>) src(%arg20 : memref<128x128xf32, #tpu.memory_space<vmem>>) dst(%dma_wait3A_144 : memref<128x128xf32, #tpu.memory_space<vmem_shared>>)
      tpu.yield
    }) : () -> ()
    %mul3A_52 = arith.constant 640 : i32
    %mul3A_53 = arith.muli %arg1, %mul3A_52 : i32
    %add3A_54 = arith.constant 384 : i32
    %add3A_55 = arith.addi %mul3A_53, %add3A_54 : i32
    "tpu.region"() ({
      %run_scoped3A = tpu.sem_alloc : memref<!tpu.dma_semaphore, #tpu.memory_space<semaphore_mem>>
      %dma_start3A = arith.constant 0 : i32
      %dma_start3A_139 = tpu.memref_slice %arg21[%add3A_55, %dma_start3A] : memref<10240x128xf32, #tpu.memory_space<vmem_shared>> -> memref<128x128xf32, #tpu.memory_space<vmem_shared>>
      %dma_start3A_140 = arith.constant 0 : i32
      %dma_start3A_141 = tpu.memref_slice %arg21[%add3A_55, %dma_start3A_140] : memref<10240x128xf32, #tpu.memory_space<vmem_shared>> -> memref<128x128xf32, #tpu.memory_space<vmem_shared>>
      tpu.enqueue_dma source(%arg20 : memref<128x128xf32, #tpu.memory_space<vmem>>) target(%dma_start3A_141 : memref<128x128xf32, #tpu.memory_space<vmem_shared>>) target_semaphore(%run_scoped3A : memref<!tpu.dma_semaphore, #tpu.memory_space<semaphore_mem>>)
      %dma_wait3A = arith.constant 0 : i32
      %dma_wait3A_142 = tpu.memref_slice %arg21[%add3A_55, %dma_wait3A] : memref<10240x128xf32, #tpu.memory_space<vmem_shared>> -> memref<128x128xf32, #tpu.memory_space<vmem_shared>>
      %dma_wait3A_143 = arith.constant 0 : i32
      %dma_wait3A_144 = tpu.memref_slice %arg21[%add3A_55, %dma_wait3A_143] : memref<10240x128xf32, #tpu.memory_space<vmem_shared>> -> memref<128x128xf32, #tpu.memory_space<vmem_shared>>
      tpu.wait_dma2 semaphore(%run_scoped3A : memref<!tpu.dma_semaphore, #tpu.memory_space<semaphore_mem>>) src(%arg20 : memref<128x128xf32, #tpu.memory_space<vmem>>) dst(%dma_wait3A_144 : memref<128x128xf32, #tpu.memory_space<vmem_shared>>)
      tpu.yield
    }) : () -> ()
    %mul3A_56 = arith.constant 640 : i32
    %mul3A_57 = arith.muli %arg1, %mul3A_56 : i32
    %add3A_58 = arith.constant 512 : i32
    %add3A_59 = arith.addi %mul3A_57, %add3A_58 : i32
    "tpu.region"() ({
      %run_scoped3A = tpu.sem_alloc : memref<!tpu.dma_semaphore, #tpu.memory_space<semaphore_mem>>
      %dma_start3A = arith.constant 0 : i32
      %dma_start3A_139 = tpu.memref_slice %arg21[%add3A_59, %dma_start3A] : memref<10240x128xf32, #tpu.memory_space<vmem_shared>> -> memref<128x128xf32, #tpu.memory_space<vmem_shared>>
      %dma_start3A_140 = arith.constant 0 : i32
      %dma_start3A_141 = tpu.memref_slice %arg21[%add3A_59, %dma_start3A_140] : memref<10240x128xf32, #tpu.memory_space<vmem_shared>> -> memref<128x128xf32, #tpu.memory_space<vmem_shared>>
      tpu.enqueue_dma source(%arg20 : memref<128x128xf32, #tpu.memory_space<vmem>>) target(%dma_start3A_141 : memref<128x128xf32, #tpu.memory_space<vmem_shared>>) target_semaphore(%run_scoped3A : memref<!tpu.dma_semaphore, #tpu.memory_space<semaphore_mem>>)
      %dma_wait3A = arith.constant 0 : i32
      %dma_wait3A_142 = tpu.memref_slice %arg21[%add3A_59, %dma_wait3A] : memref<10240x128xf32, #tpu.memory_space<vmem_shared>> -> memref<128x128xf32, #tpu.memory_space<vmem_shared>>
      %dma_wait3A_143 = arith.constant 0 : i32
      %dma_wait3A_144 = tpu.memref_slice %arg21[%add3A_59, %dma_wait3A_143] : memref<10240x128xf32, #tpu.memory_space<vmem_shared>> -> memref<128x128xf32, #tpu.memory_space<vmem_shared>>
      tpu.wait_dma2 semaphore(%run_scoped3A : memref<!tpu.dma_semaphore, #tpu.memory_space<semaphore_mem>>) src(%arg20 : memref<128x128xf32, #tpu.memory_space<vmem>>) dst(%dma_wait3A_144 : memref<128x128xf32, #tpu.memory_space<vmem_shared>>)
      tpu.yield
    }) : () -> ()
    %barrier3A_60 = arith.constant 0 : index
    tpu.barrier barrier_id(%barrier3A_60)
    %scan3A_61 = arith.constant 0 : i32
    %scan3A_62 = arith.constant 0 : i32
    %scan3A_63 = arith.constant 125 : i32
    %scan3A_64 = arith.addi %scan3A_62, %scan3A_63 : i32
    %scan3A_65 = arith.constant 1 : i32
    scf.for %scan3A_139 = %scan3A_62 to %scan3A_64 step %scan3A_65  : i32 {
      %mul3A_140 = arith.constant 80 : i32
      %mul3A_141 = arith.muli %scan3A_139, %mul3A_140 : i32
      %add3A_142 = arith.addi %mul3A_2, %mul3A_141 : i32
      "tpu.region"() ({
        %run_scoped3A = tpu.sem_alloc : memref<!tpu.dma_semaphore, #tpu.memory_space<semaphore_mem>>
        %dma_start3A_153 = tpu.memref_slice %arg2[%add3A_142] : memref<320000xi32, #tpu.memory_space<hbm>> -> memref<80xi32, #tpu.memory_space<hbm>>
        %dma_start3A_154 = tpu.memref_slice %arg2[%add3A_142] : memref<320000xi32, #tpu.memory_space<hbm>> -> memref<80xi32, #tpu.memory_space<hbm>>
        tpu.enqueue_dma source(%dma_start3A_154 : memref<80xi32, #tpu.memory_space<hbm>>) target(%arg16 : memref<80xi32, #tpu.memory_space<vmem>>) target_semaphore(%run_scoped3A : memref<!tpu.dma_semaphore, #tpu.memory_space<semaphore_mem>>)
        %dma_wait3A_155 = tpu.memref_slice %arg2[%add3A_142] : memref<320000xi32, #tpu.memory_space<hbm>> -> memref<80xi32, #tpu.memory_space<hbm>>
        %dma_wait3A_156 = tpu.memref_slice %arg2[%add3A_142] : memref<320000xi32, #tpu.memory_space<hbm>> -> memref<80xi32, #tpu.memory_space<hbm>>
        tpu.wait_dma2 semaphore(%run_scoped3A : memref<!tpu.dma_semaphore, #tpu.memory_space<semaphore_mem>>) src(%dma_wait3A_156 : memref<80xi32, #tpu.memory_space<hbm>>) dst(%arg16 : memref<80xi32, #tpu.memory_space<vmem>>)
        tpu.yield
      }) : () -> ()
      "tpu.region"() ({
        %run_scoped3A = tpu.sem_alloc : memref<!tpu.dma_semaphore, #tpu.memory_space<semaphore_mem>>
        %dma_start3A_153 = tpu.memref_slice %arg3[%add3A_142] : memref<320000xi32, #tpu.memory_space<hbm>> -> memref<80xi32, #tpu.memory_space<hbm>>
        %dma_start3A_154 = tpu.memref_slice %arg3[%add3A_142] : memref<320000xi32, #tpu.memory_space<hbm>> -> memref<80xi32, #tpu.memory_space<hbm>>
        tpu.enqueue_dma source(%dma_start3A_154 : memref<80xi32, #tpu.memory_space<hbm>>) target(%arg17 : memref<80xi32, #tpu.memory_space<vmem>>) target_semaphore(%run_scoped3A : memref<!tpu.dma_semaphore, #tpu.memory_space<semaphore_mem>>)
        %dma_wait3A_155 = tpu.memref_slice %arg3[%add3A_142] : memref<320000xi32, #tpu.memory_space<hbm>> -> memref<80xi32, #tpu.memory_space<hbm>>
        %dma_wait3A_156 = tpu.memref_slice %arg3[%add3A_142] : memref<320000xi32, #tpu.memory_space<hbm>> -> memref<80xi32, #tpu.memory_space<hbm>>
        tpu.wait_dma2 semaphore(%run_scoped3A : memref<!tpu.dma_semaphore, #tpu.memory_space<semaphore_mem>>) src(%dma_wait3A_156 : memref<80xi32, #tpu.memory_space<hbm>>) dst(%arg17 : memref<80xi32, #tpu.memory_space<vmem>>)
        tpu.yield
      }) : () -> ()
      %dma_start3A = arith.constant 0 : i32
      %dma_start3A_143 = arith.constant 0 : i32
      %dma_start3A_144 = tpu.memref_slice %arg5[%dma_start3A, %dma_start3A_143] : memref<10000x128xf32, #tpu.memory_space<hbm>> -> memref<10000x128xf32, #tpu.memory_space<hbm>>
      tpu.enqueue_indirect_dma source(%dma_start3A_144 : memref<10000x128xf32, #tpu.memory_space<hbm>>) target(%arg18 : memref<80x128xf32, #tpu.memory_space<vmem>>) offsets(%arg16 : memref<80xi32, #tpu.memory_space<vmem>>) semaphore(%arg22 : memref<!tpu.dma_semaphore, #tpu.memory_space<semaphore_mem>>)
      %dma_wait3A = arith.constant 0 : i32
      %dma_wait3A_145 = arith.constant 0 : i32
      %dma_wait3A_146 = tpu.memref_slice %arg5[%dma_wait3A, %dma_wait3A_145] : memref<10000x128xf32, #tpu.memory_space<hbm>> -> memref<10000x128xf32, #tpu.memory_space<hbm>>
      tpu.wait_indirect_dma semaphore(%arg22 : memref<!tpu.dma_semaphore, #tpu.memory_space<semaphore_mem>>) src(%dma_wait3A_146 : memref<10000x128xf32, #tpu.memory_space<hbm>>) dst(%arg18 : memref<80x128xf32, #tpu.memory_space<vmem>>)
      "tpu.region"() ({
        %run_scoped3A = tpu.sem_alloc : memref<!tpu.dma_semaphore, #tpu.memory_space<semaphore_mem>>
        %dma_start3A_153 = arith.constant 0 : i32
        %dma_start3A_154 = tpu.memref_slice %arg9[%add3A_142, %dma_start3A_153] : memref<320000x128xf32, #tpu.memory_space<hbm>> -> memref<80x128xf32, #tpu.memory_space<hbm>>
        %dma_start3A_155 = arith.constant 0 : i32
        %dma_start3A_156 = tpu.memref_slice %arg9[%add3A_142, %dma_start3A_155] : memref<320000x128xf32, #tpu.memory_space<hbm>> -> memref<80x128xf32, #tpu.memory_space<hbm>>
        tpu.enqueue_dma source(%dma_start3A_156 : memref<80x128xf32, #tpu.memory_space<hbm>>) target(%arg19 : memref<80x128xf32, #tpu.memory_space<vmem>>) target_semaphore(%run_scoped3A : memref<!tpu.dma_semaphore, #tpu.memory_space<semaphore_mem>>)
        %dma_wait3A_157 = arith.constant 0 : i32
        %dma_wait3A_158 = tpu.memref_slice %arg9[%add3A_142, %dma_wait3A_157] : memref<320000x128xf32, #tpu.memory_space<hbm>> -> memref<80x128xf32, #tpu.memory_space<hbm>>
        %dma_wait3A_159 = arith.constant 0 : i32
        %dma_wait3A_160 = tpu.memref_slice %arg9[%add3A_142, %dma_wait3A_159] : memref<320000x128xf32, #tpu.memory_space<hbm>> -> memref<80x128xf32, #tpu.memory_space<hbm>>
        tpu.wait_dma2 semaphore(%run_scoped3A : memref<!tpu.dma_semaphore, #tpu.memory_space<semaphore_mem>>) src(%dma_wait3A_160 : memref<80x128xf32, #tpu.memory_space<hbm>>) dst(%arg19 : memref<80x128xf32, #tpu.memory_space<vmem>>)
        tpu.yield
      }) : () -> ()
      %scan3A_147 = arith.constant 0 : i32
      %scan3A_148 = arith.constant 0 : i32
      %scan3A_149 = arith.constant 80 : i32
      %scan3A_150 = arith.addi %scan3A_148, %scan3A_149 : i32
      %scan3A_151 = arith.constant 1 : i32
      scf.for %scan3A_153 = %scan3A_148 to %scan3A_150 step %scan3A_151  : i32 {
        %get3A = arith.index_cast %scan3A_153 : i32 to index
        %get3A_154 = arith.constant 0 : index
        %get3A_155 = tpu.vector_load %arg18[%get3A, %get3A_154] {strides = array<i32>} : memref<80x128xf32, #tpu.memory_space<vmem>>, vector<1x16xf32>,
        %get3A_156 = vector.shape_cast %get3A_155 : vector<1x16xf32> to vector<16xf32>
        %get3A_157 = arith.index_cast %scan3A_153 : i32 to index
        %get3A_158 = arith.constant 0 : index
        %get3A_159 = tpu.vector_load %arg19[%get3A_157, %get3A_158] {strides = array<i32>} : memref<80x128xf32, #tpu.memory_space<vmem>>, vector<1x16xf32>,
        %get3A_160 = vector.shape_cast %get3A_159 : vector<1x16xf32> to vector<16xf32>
        %add3A_161 = arith.addf %get3A_156, %get3A_160 : vector<16xf32>
        %max3A = arith.constant 0.000000e+00 : f32
        %max3A_162 = vector.broadcast %max3A : f32 to vector<16xf32>
        %max3A_163 = arith.maximumf %add3A_161, %max3A_162 : vector<16xf32>
        %swap3A = arith.index_cast %scan3A_153 : i32 to index
        %swap3A_164 = arith.constant 0 : index
        %swap3A_165 = tpu.vector_load %arg18[%swap3A, %swap3A_164] {strides = array<i32>} : memref<80x128xf32, #tpu.memory_space<vmem>>, vector<1x16xf32>,
        %swap3A_166 = vector.shape_cast %swap3A_165 : vector<1x16xf32> to vector<16xf32>
        %swap3A_167 = vector.shape_cast %max3A_163 : vector<16xf32> to vector<1x16xf32>
        tpu.vector_store %arg18[%swap3A, %swap3A_164], %swap3A_167 {strides = array<i32>} : memref<80x128xf32, #tpu.memory_space<vmem>>, vector<1x16xf32>,
        %get3A_168 = arith.index_cast %scan3A_153 : i32 to index
        %get3A_169 = arith.constant 16 : index
        %get3A_170 = tpu.vector_load %arg18[%get3A_168, %get3A_169] {strides = array<i32>} : memref<80x128xf32, #tpu.memory_space<vmem>>, vector<1x16xf32>,
        %get3A_171 = vector.shape_cast %get3A_170 : vector<1x16xf32> to vector<16xf32>
        %get3A_172 = arith.index_cast %scan3A_153 : i32 to index
        %get3A_173 = arith.constant 16 : index
        %get3A_174 = tpu.vector_load %arg19[%get3A_172, %get3A_173] {strides = array<i32>} : memref<80x128xf32, #tpu.memory_space<vmem>>, vector<1x16xf32>,
        %get3A_175 = vector.shape_cast %get3A_174 : vector<1x16xf32> to vector<16xf32>
        %add3A_176 = arith.addf %get3A_171, %get3A_175 : vector<16xf32>
        %max3A_177 = arith.constant 0.000000e+00 : f32
        %max3A_178 = vector.broadcast %max3A_177 : f32 to vector<16xf32>
        %max3A_179 = arith.maximumf %add3A_176, %max3A_178 : vector<16xf32>
        %swap3A_180 = arith.index_cast %scan3A_153 : i32 to index
        %swap3A_181 = arith.constant 16 : index
        %swap3A_182 = tpu.vector_load %arg18[%swap3A_180, %swap3A_181] {strides = array<i32>} : memref<80x128xf32, #tpu.memory_space<vmem>>, vector<1x16xf32>,
        %swap3A_183 = vector.shape_cast %swap3A_182 : vector<1x16xf32> to vector<16xf32>
        %swap3A_184 = vector.shape_cast %max3A_179 : vector<16xf32> to vector<1x16xf32>
        tpu.vector_store %arg18[%swap3A_180, %swap3A_181], %swap3A_184 {strides = array<i32>} : memref<80x128xf32, #tpu.memory_space<vmem>>, vector<1x16xf32>,
        %get3A_185 = arith.index_cast %scan3A_153 : i32 to index
        %get3A_186 = arith.constant 32 : index
        %get3A_187 = tpu.vector_load %arg18[%get3A_185, %get3A_186] {strides = array<i32>} : memref<80x128xf32, #tpu.memory_space<vmem>>, vector<1x16xf32>,
        %get3A_188 = vector.shape_cast %get3A_187 : vector<1x16xf32> to vector<16xf32>
        %get3A_189 = arith.index_cast %scan3A_153 : i32 to index
        %get3A_190 = arith.constant 32 : index
        %get3A_191 = tpu.vector_load %arg19[%get3A_189, %get3A_190] {strides = array<i32>} : memref<80x128xf32, #tpu.memory_space<vmem>>, vector<1x16xf32>,
        %get3A_192 = vector.shape_cast %get3A_191 : vector<1x16xf32> to vector<16xf32>
        %add3A_193 = arith.addf %get3A_188, %get3A_192 : vector<16xf32>
        %max3A_194 = arith.constant 0.000000e+00 : f32
        %max3A_195 = vector.broadcast %max3A_194 : f32 to vector<16xf32>
        %max3A_196 = arith.maximumf %add3A_193, %max3A_195 : vector<16xf32>
        %swap3A_197 = arith.index_cast %scan3A_153 : i32 to index
        %swap3A_198 = arith.constant 32 : index
        %swap3A_199 = tpu.vector_load %arg18[%swap3A_197, %swap3A_198] {strides = array<i32>} : memref<80x128xf32, #tpu.memory_space<vmem>>, vector<1x16xf32>,
        %swap3A_200 = vector.shape_cast %swap3A_199 : vector<1x16xf32> to vector<16xf32>
        %swap3A_201 = vector.shape_cast %max3A_196 : vector<16xf32> to vector<1x16xf32>
        tpu.vector_store %arg18[%swap3A_197, %swap3A_198], %swap3A_201 {strides = array<i32>} : memref<80x128xf32, #tpu.memory_space<vmem>>, vector<1x16xf32>,
        %get3A_202 = arith.index_cast %scan3A_153 : i32 to index
        %get3A_203 = arith.constant 48 : index
        %get3A_204 = tpu.vector_load %arg18[%get3A_202, %get3A_203] {strides = array<i32>} : memref<80x128xf32, #tpu.memory_space<vmem>>, vector<1x16xf32>,
        %get3A_205 = vector.shape_cast %get3A_204 : vector<1x16xf32> to vector<16xf32>
        %get3A_206 = arith.index_cast %scan3A_153 : i32 to index
        %get3A_207 = arith.constant 48 : index
        %get3A_208 = tpu.vector_load %arg19[%get3A_206, %get3A_207] {strides = array<i32>} : memref<80x128xf32, #tpu.memory_space<vmem>>, vector<1x16xf32>,
        %get3A_209 = vector.shape_cast %get3A_208 : vector<1x16xf32> to vector<16xf32>
        %add3A_210 = arith.addf %get3A_205, %get3A_209 : vector<16xf32>
        %max3A_211 = arith.constant 0.000000e+00 : f32
        %max3A_212 = vector.broadcast %max3A_211 : f32 to vector<16xf32>
        %max3A_213 = arith.maximumf %add3A_210, %max3A_212 : vector<16xf32>
        %swap3A_214 = arith.index_cast %scan3A_153 : i32 to index
        %swap3A_215 = arith.constant 48 : index
        %swap3A_216 = tpu.vector_load %arg18[%swap3A_214, %swap3A_215] {strides = array<i32>} : memref<80x128xf32, #tpu.memory_space<vmem>>, vector<1x16xf32>,
        %swap3A_217 = vector.shape_cast %swap3A_216 : vector<1x16xf32> to vector<16xf32>
        %swap3A_218 = vector.shape_cast %max3A_213 : vector<16xf32> to vector<1x16xf32>
        tpu.vector_store %arg18[%swap3A_214, %swap3A_215], %swap3A_218 {strides = array<i32>} : memref<80x128xf32, #tpu.memory_space<vmem>>, vector<1x16xf32>,
        %get3A_219 = arith.index_cast %scan3A_153 : i32 to index
        %get3A_220 = arith.constant 64 : index
        %get3A_221 = tpu.vector_load %arg18[%get3A_219, %get3A_220] {strides = array<i32>} : memref<80x128xf32, #tpu.memory_space<vmem>>, vector<1x16xf32>,
        %get3A_222 = vector.shape_cast %get3A_221 : vector<1x16xf32> to vector<16xf32>
        %get3A_223 = arith.index_cast %scan3A_153 : i32 to index
        %get3A_224 = arith.constant 64 : index
        %get3A_225 = tpu.vector_load %arg19[%get3A_223, %get3A_224] {strides = array<i32>} : memref<80x128xf32, #tpu.memory_space<vmem>>, vector<1x16xf32>,
        %get3A_226 = vector.shape_cast %get3A_225 : vector<1x16xf32> to vector<16xf32>
        %add3A_227 = arith.addf %get3A_222, %get3A_226 : vector<16xf32>
        %max3A_228 = arith.constant 0.000000e+00 : f32
        %max3A_229 = vector.broadcast %max3A_228 : f32 to vector<16xf32>
        %max3A_230 = arith.maximumf %add3A_227, %max3A_229 : vector<16xf32>
        %swap3A_231 = arith.index_cast %scan3A_153 : i32 to index
        %swap3A_232 = arith.constant 64 : index
        %swap3A_233 = tpu.vector_load %arg18[%swap3A_231, %swap3A_232] {strides = array<i32>} : memref<80x128xf32, #tpu.memory_space<vmem>>, vector<1x16xf32>,
        %swap3A_234 = vector.shape_cast %swap3A_233 : vector<1x16xf32> to vector<16xf32>
        %swap3A_235 = vector.shape_cast %max3A_230 : vector<16xf32> to vector<1x16xf32>
        tpu.vector_store %arg18[%swap3A_231, %swap3A_232], %swap3A_235 {strides = array<i32>} : memref<80x128xf32, #tpu.memory_space<vmem>>, vector<1x16xf32>,
        %get3A_236 = arith.index_cast %scan3A_153 : i32 to index
        %get3A_237 = arith.constant 80 : index
        %get3A_238 = tpu.vector_load %arg18[%get3A_236, %get3A_237] {strides = array<i32>} : memref<80x128xf32, #tpu.memory_space<vmem>>, vector<1x16xf32>,
        %get3A_239 = vector.shape_cast %get3A_238 : vector<1x16xf32> to vector<16xf32>
        %get3A_240 = arith.index_cast %scan3A_153 : i32 to index
        %get3A_241 = arith.constant 80 : index
        %get3A_242 = tpu.vector_load %arg19[%get3A_240, %get3A_241] {strides = array<i32>} : memref<80x128xf32, #tpu.memory_space<vmem>>, vector<1x16xf32>,
        %get3A_243 = vector.shape_cast %get3A_242 : vector<1x16xf32> to vector<16xf32>
        %add3A_244 = arith.addf %get3A_239, %get3A_243 : vector<16xf32>
        %max3A_245 = arith.constant 0.000000e+00 : f32
        %max3A_246 = vector.broadcast %max3A_245 : f32 to vector<16xf32>
        %max3A_247 = arith.maximumf %add3A_244, %max3A_246 : vector<16xf32>
        %swap3A_248 = arith.index_cast %scan3A_153 : i32 to index
        %swap3A_249 = arith.constant 80 : index
        %swap3A_250 = tpu.vector_load %arg18[%swap3A_248, %swap3A_249] {strides = array<i32>} : memref<80x128xf32, #tpu.memory_space<vmem>>, vector<1x16xf32>,
        %swap3A_251 = vector.shape_cast %swap3A_250 : vector<1x16xf32> to vector<16xf32>
        %swap3A_252 = vector.shape_cast %max3A_247 : vector<16xf32> to vector<1x16xf32>
        tpu.vector_store %arg18[%swap3A_248, %swap3A_249], %swap3A_252 {strides = array<i32>} : memref<80x128xf32, #tpu.memory_space<vmem>>, vector<1x16xf32>,
        %get3A_253 = arith.index_cast %scan3A_153 : i32 to index
        %get3A_254 = arith.constant 96 : index
        %get3A_255 = tpu.vector_load %arg18[%get3A_253, %get3A_254] {strides = array<i32>} : memref<80x128xf32, #tpu.memory_space<vmem>>, vector<1x16xf32>,
        %get3A_256 = vector.shape_cast %get3A_255 : vector<1x16xf32> to vector<16xf32>
        %get3A_257 = arith.index_cast %scan3A_153 : i32 to index
        %get3A_258 = arith.constant 96 : index
        %get3A_259 = tpu.vector_load %arg19[%get3A_257, %get3A_258] {strides = array<i32>} : memref<80x128xf32, #tpu.memory_space<vmem>>, vector<1x16xf32>,
        %get3A_260 = vector.shape_cast %get3A_259 : vector<1x16xf32> to vector<16xf32>
        %add3A_261 = arith.addf %get3A_256, %get3A_260 : vector<16xf32>
        %max3A_262 = arith.constant 0.000000e+00 : f32
        %max3A_263 = vector.broadcast %max3A_262 : f32 to vector<16xf32>
        %max3A_264 = arith.maximumf %add3A_261, %max3A_263 : vector<16xf32>
        %swap3A_265 = arith.index_cast %scan3A_153 : i32 to index
        %swap3A_266 = arith.constant 96 : index
        %swap3A_267 = tpu.vector_load %arg18[%swap3A_265, %swap3A_266] {strides = array<i32>} : memref<80x128xf32, #tpu.memory_space<vmem>>, vector<1x16xf32>,
        %swap3A_268 = vector.shape_cast %swap3A_267 : vector<1x16xf32> to vector<16xf32>
        %swap3A_269 = vector.shape_cast %max3A_264 : vector<16xf32> to vector<1x16xf32>
        tpu.vector_store %arg18[%swap3A_265, %swap3A_266], %swap3A_269 {strides = array<i32>} : memref<80x128xf32, #tpu.memory_space<vmem>>, vector<1x16xf32>,
        %get3A_270 = arith.index_cast %scan3A_153 : i32 to index
        %get3A_271 = arith.constant 112 : index
        %get3A_272 = tpu.vector_load %arg18[%get3A_270, %get3A_271] {strides = array<i32>} : memref<80x128xf32, #tpu.memory_space<vmem>>, vector<1x16xf32>,
        %get3A_273 = vector.shape_cast %get3A_272 : vector<1x16xf32> to vector<16xf32>
        %get3A_274 = arith.index_cast %scan3A_153 : i32 to index
        %get3A_275 = arith.constant 112 : index
        %get3A_276 = tpu.vector_load %arg19[%get3A_274, %get3A_275] {strides = array<i32>} : memref<80x128xf32, #tpu.memory_space<vmem>>, vector<1x16xf32>,
        %get3A_277 = vector.shape_cast %get3A_276 : vector<1x16xf32> to vector<16xf32>
        %add3A_278 = arith.addf %get3A_273, %get3A_277 : vector<16xf32>
        %max3A_279 = arith.constant 0.000000e+00 : f32
        %max3A_280 = vector.broadcast %max3A_279 : f32 to vector<16xf32>
        %max3A_281 = arith.maximumf %add3A_278, %max3A_280 : vector<16xf32>
        %swap3A_282 = arith.index_cast %scan3A_153 : i32 to index
        %swap3A_283 = arith.constant 112 : index
        %swap3A_284 = tpu.vector_load %arg18[%swap3A_282, %swap3A_283] {strides = array<i32>} : memref<80x128xf32, #tpu.memory_space<vmem>>, vector<1x16xf32>,
        %swap3A_285 = vector.shape_cast %swap3A_284 : vector<1x16xf32> to vector<16xf32>
        %swap3A_286 = vector.shape_cast %max3A_281 : vector<16xf32> to vector<1x16xf32>
        tpu.vector_store %arg18[%swap3A_282, %swap3A_283], %swap3A_286 {strides = array<i32>} : memref<80x128xf32, #tpu.memory_space<vmem>>, vector<1x16xf32>,
      }
      %scan3A_152 = arith.constant 80 : i32
      "tpu.region"() ({
        %run_scoped3A = tpu.sem_alloc : memref<!tpu.dma_semaphore, #tpu.memory_space<semaphore_mem>>
        %dma_start3A_153 = arith.constant 0 : i32
        %dma_start3A_154 = arith.constant 0 : i32
        %dma_start3A_155 = tpu.memref_slice %arg21[%dma_start3A_153, %dma_start3A_154] : memref<10240x128xf32, #tpu.memory_space<vmem_shared>> -> memref<10240x128xf32, #tpu.memory_space<vmem_shared>>
        tpu.enqueue_indirect_dma source(%arg18 : memref<80x128xf32, #tpu.memory_space<vmem>>) target(%dma_start3A_155 : memref<10240x128xf32, #tpu.memory_space<vmem_shared>>) offsets(%arg17 : memref<80xi32, #tpu.memory_space<vmem>>) semaphore(%run_scoped3A : memref<!tpu.dma_semaphore, #tpu.memory_space<semaphore_mem>>) {add = true}
        %dma_wait3A_156 = arith.constant 0 : i32
        %dma_wait3A_157 = arith.constant 0 : i32
        %dma_wait3A_158 = tpu.memref_slice %arg21[%dma_wait3A_156, %dma_wait3A_157] : memref<10240x128xf32, #tpu.memory_space<vmem_shared>> -> memref<10240x128xf32, #tpu.memory_space<vmem_shared>>
        tpu.wait_indirect_dma semaphore(%run_scoped3A : memref<!tpu.dma_semaphore, #tpu.memory_space<semaphore_mem>>) src(%arg18 : memref<80x128xf32, #tpu.memory_space<vmem>>) dst(%dma_wait3A_158 : memref<10240x128xf32, #tpu.memory_space<vmem_shared>>)
        tpu.yield
      }) : () -> ()
    }
    %scan3A_66 = arith.constant 125 : i32
    %barrier3A_67 = arith.constant 0 : index
    tpu.barrier barrier_id(%barrier3A_67)
    %mul3A_68 = arith.constant 640 : i32
    %mul3A_69 = arith.muli %arg1, %mul3A_68 : i32
    %mul3A_70 = arith.constant 640 : i32
    %mul3A_71 = arith.muli %arg1, %mul3A_70 : i32
    "tpu.region"() ({
      %run_scoped3A = tpu.sem_alloc : memref<!tpu.dma_semaphore, #tpu.memory_space<semaphore_mem>>
      %dma_start3A = arith.constant 0 : i32
      %dma_start3A_139 = tpu.memref_slice %arg13[%arg0, %mul3A_71, %dma_start3A] : memref<2x10240x128xf32, #tpu.memory_space<hbm>> -> memref<1x640x128xf32, #tpu.memory_space<hbm>>
      %dma_start3A_140 = tpu.memref_squeeze %dma_start3A_139 : memref<1x640x128xf32, #tpu.memory_space<hbm>> -> memref<640x128xf32, #tpu.memory_space<hbm>>
      %dma_start3A_141 = arith.constant 0 : i32
      %dma_start3A_142 = tpu.memref_slice %arg21[%mul3A_69, %dma_start3A_141] : memref<10240x128xf32, #tpu.memory_space<vmem_shared>> -> memref<640x128xf32, #tpu.memory_space<vmem_shared>>
      tpu.enqueue_dma source(%dma_start3A_142 : memref<640x128xf32, #tpu.memory_space<vmem_shared>>) target(%dma_start3A_140 : memref<640x128xf32, #tpu.memory_space<hbm>>) target_semaphore(%run_scoped3A : memref<!tpu.dma_semaphore, #tpu.memory_space<semaphore_mem>>)
      %dma_wait3A = arith.constant 0 : i32
      %dma_wait3A_143 = tpu.memref_slice %arg13[%arg0, %mul3A_71, %dma_wait3A] : memref<2x10240x128xf32, #tpu.memory_space<hbm>> -> memref<1x640x128xf32, #tpu.memory_space<hbm>>
      %dma_wait3A_144 = tpu.memref_squeeze %dma_wait3A_143 : memref<1x640x128xf32, #tpu.memory_space<hbm>> -> memref<640x128xf32, #tpu.memory_space<hbm>>
      %dma_wait3A_145 = arith.constant 0 : i32
      %dma_wait3A_146 = tpu.memref_slice %arg21[%mul3A_69, %dma_wait3A_145] : memref<10240x128xf32, #tpu.memory_space<vmem_shared>> -> memref<640x128xf32, #tpu.memory_space<vmem_shared>>
      tpu.wait_dma2 semaphore(%run_scoped3A : memref<!tpu.dma_semaphore, #tpu.memory_space<semaphore_mem>>) src(%dma_wait3A_146 : memref<640x128xf32, #tpu.memory_space<vmem_shared>>) dst(%dma_wait3A_144 : memref<640x128xf32, #tpu.memory_space<hbm>>)
      tpu.yield
    }) : () -> ()
    %barrier3A_72 = arith.constant 0 : index
    tpu.barrier barrier_id(%barrier3A_72)
    %mul3A_73 = arith.constant 640 : i32
    %mul3A_74 = arith.muli %arg1, %mul3A_73 : i32
    %add3A_75 = arith.constant 0 : i32
    %add3A_76 = arith.addi %mul3A_74, %add3A_75 : i32
    "tpu.region"() ({
      %run_scoped3A = tpu.sem_alloc : memref<!tpu.dma_semaphore, #tpu.memory_space<semaphore_mem>>
      %dma_start3A = arith.constant 0 : i32
      %dma_start3A_139 = tpu.memref_slice %arg21[%add3A_76, %dma_start3A] : memref<10240x128xf32, #tpu.memory_space<vmem_shared>> -> memref<128x128xf32, #tpu.memory_space<vmem_shared>>
      %dma_start3A_140 = arith.constant 0 : i32
      %dma_start3A_141 = tpu.memref_slice %arg21[%add3A_76, %dma_start3A_140] : memref<10240x128xf32, #tpu.memory_space<vmem_shared>> -> memref<128x128xf32, #tpu.memory_space<vmem_shared>>
      tpu.enqueue_dma source(%arg20 : memref<128x128xf32, #tpu.memory_space<vmem>>) target(%dma_start3A_141 : memref<128x128xf32, #tpu.memory_space<vmem_shared>>) target_semaphore(%run_scoped3A : memref<!tpu.dma_semaphore, #tpu.memory_space<semaphore_mem>>)
      %dma_wait3A = arith.constant 0 : i32
      %dma_wait3A_142 = tpu.memref_slice %arg21[%add3A_76, %dma_wait3A] : memref<10240x128xf32, #tpu.memory_space<vmem_shared>> -> memref<128x128xf32, #tpu.memory_space<vmem_shared>>
      %dma_wait3A_143 = arith.constant 0 : i32
      %dma_wait3A_144 = tpu.memref_slice %arg21[%add3A_76, %dma_wait3A_143] : memref<10240x128xf32, #tpu.memory_space<vmem_shared>> -> memref<128x128xf32, #tpu.memory_space<vmem_shared>>
      tpu.wait_dma2 semaphore(%run_scoped3A : memref<!tpu.dma_semaphore, #tpu.memory_space<semaphore_mem>>) src(%arg20 : memref<128x128xf32, #tpu.memory_space<vmem>>) dst(%dma_wait3A_144 : memref<128x128xf32, #tpu.memory_space<vmem_shared>>)
      tpu.yield
    }) : () -> ()
    %mul3A_77 = arith.constant 640 : i32
    %mul3A_78 = arith.muli %arg1, %mul3A_77 : i32
    %add3A_79 = arith.constant 128 : i32
    %add3A_80 = arith.addi %mul3A_78, %add3A_79 : i32
    "tpu.region"() ({
      %run_scoped3A = tpu.sem_alloc : memref<!tpu.dma_semaphore, #tpu.memory_space<semaphore_mem>>
      %dma_start3A = arith.constant 0 : i32
      %dma_start3A_139 = tpu.memref_slice %arg21[%add3A_80, %dma_start3A] : memref<10240x128xf32, #tpu.memory_space<vmem_shared>> -> memref<128x128xf32, #tpu.memory_space<vmem_shared>>
      %dma_start3A_140 = arith.constant 0 : i32
      %dma_start3A_141 = tpu.memref_slice %arg21[%add3A_80, %dma_start3A_140] : memref<10240x128xf32, #tpu.memory_space<vmem_shared>> -> memref<128x128xf32, #tpu.memory_space<vmem_shared>>
      tpu.enqueue_dma source(%arg20 : memref<128x128xf32, #tpu.memory_space<vmem>>) target(%dma_start3A_141 : memref<128x128xf32, #tpu.memory_space<vmem_shared>>) target_semaphore(%run_scoped3A : memref<!tpu.dma_semaphore, #tpu.memory_space<semaphore_mem>>)
      %dma_wait3A = arith.constant 0 : i32
      %dma_wait3A_142 = tpu.memref_slice %arg21[%add3A_80, %dma_wait3A] : memref<10240x128xf32, #tpu.memory_space<vmem_shared>> -> memref<128x128xf32, #tpu.memory_space<vmem_shared>>
      %dma_wait3A_143 = arith.constant 0 : i32
      %dma_wait3A_144 = tpu.memref_slice %arg21[%add3A_80, %dma_wait3A_143] : memref<10240x128xf32, #tpu.memory_space<vmem_shared>> -> memref<128x128xf32, #tpu.memory_space<vmem_shared>>
      tpu.wait_dma2 semaphore(%run_scoped3A : memref<!tpu.dma_semaphore, #tpu.memory_space<semaphore_mem>>) src(%arg20 : memref<128x128xf32, #tpu.memory_space<vmem>>) dst(%dma_wait3A_144 : memref<128x128xf32, #tpu.memory_space<vmem_shared>>)
      tpu.yield
    }) : () -> ()
    %mul3A_81 = arith.constant 640 : i32
    %mul3A_82 = arith.muli %arg1, %mul3A_81 : i32
    %add3A_83 = arith.constant 256 : i32
    %add3A_84 = arith.addi %mul3A_82, %add3A_83 : i32
    "tpu.region"() ({
      %run_scoped3A = tpu.sem_alloc : memref<!tpu.dma_semaphore, #tpu.memory_space<semaphore_mem>>
      %dma_start3A = arith.constant 0 : i32
      %dma_start3A_139 = tpu.memref_slice %arg21[%add3A_84, %dma_start3A] : memref<10240x128xf32, #tpu.memory_space<vmem_shared>> -> memref<128x128xf32, #tpu.memory_space<vmem_shared>>
      %dma_start3A_140 = arith.constant 0 : i32
      %dma_start3A_141 = tpu.memref_slice %arg21[%add3A_84, %dma_start3A_140] : memref<10240x128xf32, #tpu.memory_space<vmem_shared>> -> memref<128x128xf32, #tpu.memory_space<vmem_shared>>
      tpu.enqueue_dma source(%arg20 : memref<128x128xf32, #tpu.memory_space<vmem>>) target(%dma_start3A_141 : memref<128x128xf32, #tpu.memory_space<vmem_shared>>) target_semaphore(%run_scoped3A : memref<!tpu.dma_semaphore, #tpu.memory_space<semaphore_mem>>)
      %dma_wait3A = arith.constant 0 : i32
      %dma_wait3A_142 = tpu.memref_slice %arg21[%add3A_84, %dma_wait3A] : memref<10240x128xf32, #tpu.memory_space<vmem_shared>> -> memref<128x128xf32, #tpu.memory_space<vmem_shared>>
      %dma_wait3A_143 = arith.constant 0 : i32
      %dma_wait3A_144 = tpu.memref_slice %arg21[%add3A_84, %dma_wait3A_143] : memref<10240x128xf32, #tpu.memory_space<vmem_shared>> -> memref<128x128xf32, #tpu.memory_space<vmem_shared>>
      tpu.wait_dma2 semaphore(%run_scoped3A : memref<!tpu.dma_semaphore, #tpu.memory_space<semaphore_mem>>) src(%arg20 : memref<128x128xf32, #tpu.memory_space<vmem>>) dst(%dma_wait3A_144 : memref<128x128xf32, #tpu.memory_space<vmem_shared>>)
      tpu.yield
    }) : () -> ()
    %mul3A_85 = arith.constant 640 : i32
    %mul3A_86 = arith.muli %arg1, %mul3A_85 : i32
    %add3A_87 = arith.constant 384 : i32
    %add3A_88 = arith.addi %mul3A_86, %add3A_87 : i32
    "tpu.region"() ({
      %run_scoped3A = tpu.sem_alloc : memref<!tpu.dma_semaphore, #tpu.memory_space<semaphore_mem>>
      %dma_start3A = arith.constant 0 : i32
      %dma_start3A_139 = tpu.memref_slice %arg21[%add3A_88, %dma_start3A] : memref<10240x128xf32, #tpu.memory_space<vmem_shared>> -> memref<128x128xf32, #tpu.memory_space<vmem_shared>>
      %dma_start3A_140 = arith.constant 0 : i32
      %dma_start3A_141 = tpu.memref_slice %arg21[%add3A_88, %dma_start3A_140] : memref<10240x128xf32, #tpu.memory_space<vmem_shared>> -> memref<128x128xf32, #tpu.memory_space<vmem_shared>>
      tpu.enqueue_dma source(%arg20 : memref<128x128xf32, #tpu.memory_space<vmem>>) target(%dma_start3A_141 : memref<128x128xf32, #tpu.memory_space<vmem_shared>>) target_semaphore(%run_scoped3A : memref<!tpu.dma_semaphore, #tpu.memory_space<semaphore_mem>>)
      %dma_wait3A = arith.constant 0 : i32
      %dma_wait3A_142 = tpu.memref_slice %arg21[%add3A_88, %dma_wait3A] : memref<10240x128xf32, #tpu.memory_space<vmem_shared>> -> memref<128x128xf32, #tpu.memory_space<vmem_shared>>
      %dma_wait3A_143 = arith.constant 0 : i32
      %dma_wait3A_144 = tpu.memref_slice %arg21[%add3A_88, %dma_wait3A_143] : memref<10240x128xf32, #tpu.memory_space<vmem_shared>> -> memref<128x128xf32, #tpu.memory_space<vmem_shared>>
      tpu.wait_dma2 semaphore(%run_scoped3A : memref<!tpu.dma_semaphore, #tpu.memory_space<semaphore_mem>>) src(%arg20 : memref<128x128xf32, #tpu.memory_space<vmem>>) dst(%dma_wait3A_144 : memref<128x128xf32, #tpu.memory_space<vmem_shared>>)
      tpu.yield
    }) : () -> ()
    %mul3A_89 = arith.constant 640 : i32
    %mul3A_90 = arith.muli %arg1, %mul3A_89 : i32
    %add3A_91 = arith.constant 512 : i32
    %add3A_92 = arith.addi %mul3A_90, %add3A_91 : i32
    "tpu.region"() ({
      %run_scoped3A = tpu.sem_alloc : memref<!tpu.dma_semaphore, #tpu.memory_space<semaphore_mem>>
      %dma_start3A = arith.constant 0 : i32
      %dma_start3A_139 = tpu.memref_slice %arg21[%add3A_92, %dma_start3A] : memref<10240x128xf32, #tpu.memory_space<vmem_shared>> -> memref<128x128xf32, #tpu.memory_space<vmem_shared>>
      %dma_start3A_140 = arith.constant 0 : i32
      %dma_start3A_141 = tpu.memref_slice %arg21[%add3A_92, %dma_start3A_140] : memref<10240x128xf32, #tpu.memory_space<vmem_shared>> -> memref<128x128xf32, #tpu.memory_space<vmem_shared>>
      tpu.enqueue_dma source(%arg20 : memref<128x128xf32, #tpu.memory_space<vmem>>) target(%dma_start3A_141 : memref<128x128xf32, #tpu.memory_space<vmem_shared>>) target_semaphore(%run_scoped3A : memref<!tpu.dma_semaphore, #tpu.memory_space<semaphore_mem>>)
      %dma_wait3A = arith.constant 0 : i32
      %dma_wait3A_142 = tpu.memref_slice %arg21[%add3A_92, %dma_wait3A] : memref<10240x128xf32, #tpu.memory_space<vmem_shared>> -> memref<128x128xf32, #tpu.memory_space<vmem_shared>>
      %dma_wait3A_143 = arith.constant 0 : i32
      %dma_wait3A_144 = tpu.memref_slice %arg21[%add3A_92, %dma_wait3A_143] : memref<10240x128xf32, #tpu.memory_space<vmem_shared>> -> memref<128x128xf32, #tpu.memory_space<vmem_shared>>
      tpu.wait_dma2 semaphore(%run_scoped3A : memref<!tpu.dma_semaphore, #tpu.memory_space<semaphore_mem>>) src(%arg20 : memref<128x128xf32, #tpu.memory_space<vmem>>) dst(%dma_wait3A_144 : memref<128x128xf32, #tpu.memory_space<vmem_shared>>)
      tpu.yield
    }) : () -> ()
    %barrier3A_93 = arith.constant 0 : index
    tpu.barrier barrier_id(%barrier3A_93)
    %scan3A_94 = arith.constant 0 : i32
    %scan3A_95 = arith.constant 0 : i32
    %scan3A_96 = arith.constant 125 : i32
    %scan3A_97 = arith.addi %scan3A_95, %scan3A_96 : i32
    %scan3A_98 = arith.constant 1 : i32
    scf.for %scan3A_139 = %scan3A_95 to %scan3A_97 step %scan3A_98  : i32 {
      %mul3A_140 = arith.constant 80 : i32
      %mul3A_141 = arith.muli %scan3A_139, %mul3A_140 : i32
      %add3A_142 = arith.addi %mul3A_2, %mul3A_141 : i32
      "tpu.region"() ({
        %run_scoped3A = tpu.sem_alloc : memref<!tpu.dma_semaphore, #tpu.memory_space<semaphore_mem>>
        %dma_start3A_153 = tpu.memref_slice %arg2[%add3A_142] : memref<320000xi32, #tpu.memory_space<hbm>> -> memref<80xi32, #tpu.memory_space<hbm>>
        %dma_start3A_154 = tpu.memref_slice %arg2[%add3A_142] : memref<320000xi32, #tpu.memory_space<hbm>> -> memref<80xi32, #tpu.memory_space<hbm>>
        tpu.enqueue_dma source(%dma_start3A_154 : memref<80xi32, #tpu.memory_space<hbm>>) target(%arg16 : memref<80xi32, #tpu.memory_space<vmem>>) target_semaphore(%run_scoped3A : memref<!tpu.dma_semaphore, #tpu.memory_space<semaphore_mem>>)
        %dma_wait3A_155 = tpu.memref_slice %arg2[%add3A_142] : memref<320000xi32, #tpu.memory_space<hbm>> -> memref<80xi32, #tpu.memory_space<hbm>>
        %dma_wait3A_156 = tpu.memref_slice %arg2[%add3A_142] : memref<320000xi32, #tpu.memory_space<hbm>> -> memref<80xi32, #tpu.memory_space<hbm>>
        tpu.wait_dma2 semaphore(%run_scoped3A : memref<!tpu.dma_semaphore, #tpu.memory_space<semaphore_mem>>) src(%dma_wait3A_156 : memref<80xi32, #tpu.memory_space<hbm>>) dst(%arg16 : memref<80xi32, #tpu.memory_space<vmem>>)
        tpu.yield
      }) : () -> ()
      "tpu.region"() ({
        %run_scoped3A = tpu.sem_alloc : memref<!tpu.dma_semaphore, #tpu.memory_space<semaphore_mem>>
        %dma_start3A_153 = tpu.memref_slice %arg3[%add3A_142] : memref<320000xi32, #tpu.memory_space<hbm>> -> memref<80xi32, #tpu.memory_space<hbm>>
        %dma_start3A_154 = tpu.memref_slice %arg3[%add3A_142] : memref<320000xi32, #tpu.memory_space<hbm>> -> memref<80xi32, #tpu.memory_space<hbm>>
        tpu.enqueue_dma source(%dma_start3A_154 : memref<80xi32, #tpu.memory_space<hbm>>) target(%arg17 : memref<80xi32, #tpu.memory_space<vmem>>) target_semaphore(%run_scoped3A : memref<!tpu.dma_semaphore, #tpu.memory_space<semaphore_mem>>)
        %dma_wait3A_155 = tpu.memref_slice %arg3[%add3A_142] : memref<320000xi32, #tpu.memory_space<hbm>> -> memref<80xi32, #tpu.memory_space<hbm>>
        %dma_wait3A_156 = tpu.memref_slice %arg3[%add3A_142] : memref<320000xi32, #tpu.memory_space<hbm>> -> memref<80xi32, #tpu.memory_space<hbm>>
        tpu.wait_dma2 semaphore(%run_scoped3A : memref<!tpu.dma_semaphore, #tpu.memory_space<semaphore_mem>>) src(%dma_wait3A_156 : memref<80xi32, #tpu.memory_space<hbm>>) dst(%arg17 : memref<80xi32, #tpu.memory_space<vmem>>)
        tpu.yield
      }) : () -> ()
      %dma_start3A = arith.constant 0 : i32
      %dma_start3A_143 = arith.constant 0 : i32
      %dma_start3A_144 = tpu.memref_slice %arg6[%dma_start3A, %dma_start3A_143] : memref<10000x128xf32, #tpu.memory_space<hbm>> -> memref<10000x128xf32, #tpu.memory_space<hbm>>
      tpu.enqueue_indirect_dma source(%dma_start3A_144 : memref<10000x128xf32, #tpu.memory_space<hbm>>) target(%arg18 : memref<80x128xf32, #tpu.memory_space<vmem>>) offsets(%arg16 : memref<80xi32, #tpu.memory_space<vmem>>) semaphore(%arg22 : memref<!tpu.dma_semaphore, #tpu.memory_space<semaphore_mem>>)
      %dma_wait3A = arith.constant 0 : i32
      %dma_wait3A_145 = arith.constant 0 : i32
      %dma_wait3A_146 = tpu.memref_slice %arg6[%dma_wait3A, %dma_wait3A_145] : memref<10000x128xf32, #tpu.memory_space<hbm>> -> memref<10000x128xf32, #tpu.memory_space<hbm>>
      tpu.wait_indirect_dma semaphore(%arg22 : memref<!tpu.dma_semaphore, #tpu.memory_space<semaphore_mem>>) src(%dma_wait3A_146 : memref<10000x128xf32, #tpu.memory_space<hbm>>) dst(%arg18 : memref<80x128xf32, #tpu.memory_space<vmem>>)
      "tpu.region"() ({
        %run_scoped3A = tpu.sem_alloc : memref<!tpu.dma_semaphore, #tpu.memory_space<semaphore_mem>>
        %dma_start3A_153 = arith.constant 0 : i32
        %dma_start3A_154 = tpu.memref_slice %arg10[%add3A_142, %dma_start3A_153] : memref<320000x128xf32, #tpu.memory_space<hbm>> -> memref<80x128xf32, #tpu.memory_space<hbm>>
        %dma_start3A_155 = arith.constant 0 : i32
        %dma_start3A_156 = tpu.memref_slice %arg10[%add3A_142, %dma_start3A_155] : memref<320000x128xf32, #tpu.memory_space<hbm>> -> memref<80x128xf32, #tpu.memory_space<hbm>>
        tpu.enqueue_dma source(%dma_start3A_156 : memref<80x128xf32, #tpu.memory_space<hbm>>) target(%arg19 : memref<80x128xf32, #tpu.memory_space<vmem>>) target_semaphore(%run_scoped3A : memref<!tpu.dma_semaphore, #tpu.memory_space<semaphore_mem>>)
        %dma_wait3A_157 = arith.constant 0 : i32
        %dma_wait3A_158 = tpu.memref_slice %arg10[%add3A_142, %dma_wait3A_157] : memref<320000x128xf32, #tpu.memory_space<hbm>> -> memref<80x128xf32, #tpu.memory_space<hbm>>
        %dma_wait3A_159 = arith.constant 0 : i32
        %dma_wait3A_160 = tpu.memref_slice %arg10[%add3A_142, %dma_wait3A_159] : memref<320000x128xf32, #tpu.memory_space<hbm>> -> memref<80x128xf32, #tpu.memory_space<hbm>>
        tpu.wait_dma2 semaphore(%run_scoped3A : memref<!tpu.dma_semaphore, #tpu.memory_space<semaphore_mem>>) src(%dma_wait3A_160 : memref<80x128xf32, #tpu.memory_space<hbm>>) dst(%arg19 : memref<80x128xf32, #tpu.memory_space<vmem>>)
        tpu.yield
      }) : () -> ()
      %scan3A_147 = arith.constant 0 : i32
      %scan3A_148 = arith.constant 0 : i32
      %scan3A_149 = arith.constant 80 : i32
      %scan3A_150 = arith.addi %scan3A_148, %scan3A_149 : i32
      %scan3A_151 = arith.constant 1 : i32
      scf.for %scan3A_153 = %scan3A_148 to %scan3A_150 step %scan3A_151  : i32 {
        %get3A = arith.index_cast %scan3A_153 : i32 to index
        %get3A_154 = arith.constant 0 : index
        %get3A_155 = tpu.vector_load %arg18[%get3A, %get3A_154] {strides = array<i32>} : memref<80x128xf32, #tpu.memory_space<vmem>>, vector<1x16xf32>,
        %get3A_156 = vector.shape_cast %get3A_155 : vector<1x16xf32> to vector<16xf32>
        %get3A_157 = arith.index_cast %scan3A_153 : i32 to index
        %get3A_158 = arith.constant 0 : index
        %get3A_159 = tpu.vector_load %arg19[%get3A_157, %get3A_158] {strides = array<i32>} : memref<80x128xf32, #tpu.memory_space<vmem>>, vector<1x16xf32>,
        %get3A_160 = vector.shape_cast %get3A_159 : vector<1x16xf32> to vector<16xf32>
        %add3A_161 = arith.addf %get3A_156, %get3A_160 : vector<16xf32>
        %max3A = arith.constant 0.000000e+00 : f32
        %max3A_162 = vector.broadcast %max3A : f32 to vector<16xf32>
        %max3A_163 = arith.maximumf %add3A_161, %max3A_162 : vector<16xf32>
        %swap3A = arith.index_cast %scan3A_153 : i32 to index
        %swap3A_164 = arith.constant 0 : index
        %swap3A_165 = tpu.vector_load %arg18[%swap3A, %swap3A_164] {strides = array<i32>} : memref<80x128xf32, #tpu.memory_space<vmem>>, vector<1x16xf32>,
        %swap3A_166 = vector.shape_cast %swap3A_165 : vector<1x16xf32> to vector<16xf32>
        %swap3A_167 = vector.shape_cast %max3A_163 : vector<16xf32> to vector<1x16xf32>
        tpu.vector_store %arg18[%swap3A, %swap3A_164], %swap3A_167 {strides = array<i32>} : memref<80x128xf32, #tpu.memory_space<vmem>>, vector<1x16xf32>,
        %get3A_168 = arith.index_cast %scan3A_153 : i32 to index
        %get3A_169 = arith.constant 16 : index
        %get3A_170 = tpu.vector_load %arg18[%get3A_168, %get3A_169] {strides = array<i32>} : memref<80x128xf32, #tpu.memory_space<vmem>>, vector<1x16xf32>,
        %get3A_171 = vector.shape_cast %get3A_170 : vector<1x16xf32> to vector<16xf32>
        %get3A_172 = arith.index_cast %scan3A_153 : i32 to index
        %get3A_173 = arith.constant 16 : index
        %get3A_174 = tpu.vector_load %arg19[%get3A_172, %get3A_173] {strides = array<i32>} : memref<80x128xf32, #tpu.memory_space<vmem>>, vector<1x16xf32>,
        %get3A_175 = vector.shape_cast %get3A_174 : vector<1x16xf32> to vector<16xf32>
        %add3A_176 = arith.addf %get3A_171, %get3A_175 : vector<16xf32>
        %max3A_177 = arith.constant 0.000000e+00 : f32
        %max3A_178 = vector.broadcast %max3A_177 : f32 to vector<16xf32>
        %max3A_179 = arith.maximumf %add3A_176, %max3A_178 : vector<16xf32>
        %swap3A_180 = arith.index_cast %scan3A_153 : i32 to index
        %swap3A_181 = arith.constant 16 : index
        %swap3A_182 = tpu.vector_load %arg18[%swap3A_180, %swap3A_181] {strides = array<i32>} : memref<80x128xf32, #tpu.memory_space<vmem>>, vector<1x16xf32>,
        %swap3A_183 = vector.shape_cast %swap3A_182 : vector<1x16xf32> to vector<16xf32>
        %swap3A_184 = vector.shape_cast %max3A_179 : vector<16xf32> to vector<1x16xf32>
        tpu.vector_store %arg18[%swap3A_180, %swap3A_181], %swap3A_184 {strides = array<i32>} : memref<80x128xf32, #tpu.memory_space<vmem>>, vector<1x16xf32>,
        %get3A_185 = arith.index_cast %scan3A_153 : i32 to index
        %get3A_186 = arith.constant 32 : index
        %get3A_187 = tpu.vector_load %arg18[%get3A_185, %get3A_186] {strides = array<i32>} : memref<80x128xf32, #tpu.memory_space<vmem>>, vector<1x16xf32>,
        %get3A_188 = vector.shape_cast %get3A_187 : vector<1x16xf32> to vector<16xf32>
        %get3A_189 = arith.index_cast %scan3A_153 : i32 to index
        %get3A_190 = arith.constant 32 : index
        %get3A_191 = tpu.vector_load %arg19[%get3A_189, %get3A_190] {strides = array<i32>} : memref<80x128xf32, #tpu.memory_space<vmem>>, vector<1x16xf32>,
        %get3A_192 = vector.shape_cast %get3A_191 : vector<1x16xf32> to vector<16xf32>
        %add3A_193 = arith.addf %get3A_188, %get3A_192 : vector<16xf32>
        %max3A_194 = arith.constant 0.000000e+00 : f32
        %max3A_195 = vector.broadcast %max3A_194 : f32 to vector<16xf32>
        %max3A_196 = arith.maximumf %add3A_193, %max3A_195 : vector<16xf32>
        %swap3A_197 = arith.index_cast %scan3A_153 : i32 to index
        %swap3A_198 = arith.constant 32 : index
        %swap3A_199 = tpu.vector_load %arg18[%swap3A_197, %swap3A_198] {strides = array<i32>} : memref<80x128xf32, #tpu.memory_space<vmem>>, vector<1x16xf32>,
        %swap3A_200 = vector.shape_cast %swap3A_199 : vector<1x16xf32> to vector<16xf32>
        %swap3A_201 = vector.shape_cast %max3A_196 : vector<16xf32> to vector<1x16xf32>
        tpu.vector_store %arg18[%swap3A_197, %swap3A_198], %swap3A_201 {strides = array<i32>} : memref<80x128xf32, #tpu.memory_space<vmem>>, vector<1x16xf32>,
        %get3A_202 = arith.index_cast %scan3A_153 : i32 to index
        %get3A_203 = arith.constant 48 : index
        %get3A_204 = tpu.vector_load %arg18[%get3A_202, %get3A_203] {strides = array<i32>} : memref<80x128xf32, #tpu.memory_space<vmem>>, vector<1x16xf32>,
        %get3A_205 = vector.shape_cast %get3A_204 : vector<1x16xf32> to vector<16xf32>
        %get3A_206 = arith.index_cast %scan3A_153 : i32 to index
        %get3A_207 = arith.constant 48 : index
        %get3A_208 = tpu.vector_load %arg19[%get3A_206, %get3A_207] {strides = array<i32>} : memref<80x128xf32, #tpu.memory_space<vmem>>, vector<1x16xf32>,
        %get3A_209 = vector.shape_cast %get3A_208 : vector<1x16xf32> to vector<16xf32>
        %add3A_210 = arith.addf %get3A_205, %get3A_209 : vector<16xf32>
        %max3A_211 = arith.constant 0.000000e+00 : f32
        %max3A_212 = vector.broadcast %max3A_211 : f32 to vector<16xf32>
        %max3A_213 = arith.maximumf %add3A_210, %max3A_212 : vector<16xf32>
        %swap3A_214 = arith.index_cast %scan3A_153 : i32 to index
        %swap3A_215 = arith.constant 48 : index
        %swap3A_216 = tpu.vector_load %arg18[%swap3A_214, %swap3A_215] {strides = array<i32>} : memref<80x128xf32, #tpu.memory_space<vmem>>, vector<1x16xf32>,
        %swap3A_217 = vector.shape_cast %swap3A_216 : vector<1x16xf32> to vector<16xf32>
        %swap3A_218 = vector.shape_cast %max3A_213 : vector<16xf32> to vector<1x16xf32>
        tpu.vector_store %arg18[%swap3A_214, %swap3A_215], %swap3A_218 {strides = array<i32>} : memref<80x128xf32, #tpu.memory_space<vmem>>, vector<1x16xf32>,
        %get3A_219 = arith.index_cast %scan3A_153 : i32 to index
        %get3A_220 = arith.constant 64 : index
        %get3A_221 = tpu.vector_load %arg18[%get3A_219, %get3A_220] {strides = array<i32>} : memref<80x128xf32, #tpu.memory_space<vmem>>, vector<1x16xf32>,
        %get3A_222 = vector.shape_cast %get3A_221 : vector<1x16xf32> to vector<16xf32>
        %get3A_223 = arith.index_cast %scan3A_153 : i32 to index
        %get3A_224 = arith.constant 64 : index
        %get3A_225 = tpu.vector_load %arg19[%get3A_223, %get3A_224] {strides = array<i32>} : memref<80x128xf32, #tpu.memory_space<vmem>>, vector<1x16xf32>,
        %get3A_226 = vector.shape_cast %get3A_225 : vector<1x16xf32> to vector<16xf32>
        %add3A_227 = arith.addf %get3A_222, %get3A_226 : vector<16xf32>
        %max3A_228 = arith.constant 0.000000e+00 : f32
        %max3A_229 = vector.broadcast %max3A_228 : f32 to vector<16xf32>
        %max3A_230 = arith.maximumf %add3A_227, %max3A_229 : vector<16xf32>
        %swap3A_231 = arith.index_cast %scan3A_153 : i32 to index
        %swap3A_232 = arith.constant 64 : index
        %swap3A_233 = tpu.vector_load %arg18[%swap3A_231, %swap3A_232] {strides = array<i32>} : memref<80x128xf32, #tpu.memory_space<vmem>>, vector<1x16xf32>,
        %swap3A_234 = vector.shape_cast %swap3A_233 : vector<1x16xf32> to vector<16xf32>
        %swap3A_235 = vector.shape_cast %max3A_230 : vector<16xf32> to vector<1x16xf32>
        tpu.vector_store %arg18[%swap3A_231, %swap3A_232], %swap3A_235 {strides = array<i32>} : memref<80x128xf32, #tpu.memory_space<vmem>>, vector<1x16xf32>,
        %get3A_236 = arith.index_cast %scan3A_153 : i32 to index
        %get3A_237 = arith.constant 80 : index
        %get3A_238 = tpu.vector_load %arg18[%get3A_236, %get3A_237] {strides = array<i32>} : memref<80x128xf32, #tpu.memory_space<vmem>>, vector<1x16xf32>,
        %get3A_239 = vector.shape_cast %get3A_238 : vector<1x16xf32> to vector<16xf32>
        %get3A_240 = arith.index_cast %scan3A_153 : i32 to index
        %get3A_241 = arith.constant 80 : index
        %get3A_242 = tpu.vector_load %arg19[%get3A_240, %get3A_241] {strides = array<i32>} : memref<80x128xf32, #tpu.memory_space<vmem>>, vector<1x16xf32>,
        %get3A_243 = vector.shape_cast %get3A_242 : vector<1x16xf32> to vector<16xf32>
        %add3A_244 = arith.addf %get3A_239, %get3A_243 : vector<16xf32>
        %max3A_245 = arith.constant 0.000000e+00 : f32
        %max3A_246 = vector.broadcast %max3A_245 : f32 to vector<16xf32>
        %max3A_247 = arith.maximumf %add3A_244, %max3A_246 : vector<16xf32>
        %swap3A_248 = arith.index_cast %scan3A_153 : i32 to index
        %swap3A_249 = arith.constant 80 : index
        %swap3A_250 = tpu.vector_load %arg18[%swap3A_248, %swap3A_249] {strides = array<i32>} : memref<80x128xf32, #tpu.memory_space<vmem>>, vector<1x16xf32>,
        %swap3A_251 = vector.shape_cast %swap3A_250 : vector<1x16xf32> to vector<16xf32>
        %swap3A_252 = vector.shape_cast %max3A_247 : vector<16xf32> to vector<1x16xf32>
        tpu.vector_store %arg18[%swap3A_248, %swap3A_249], %swap3A_252 {strides = array<i32>} : memref<80x128xf32, #tpu.memory_space<vmem>>, vector<1x16xf32>,
        %get3A_253 = arith.index_cast %scan3A_153 : i32 to index
        %get3A_254 = arith.constant 96 : index
        %get3A_255 = tpu.vector_load %arg18[%get3A_253, %get3A_254] {strides = array<i32>} : memref<80x128xf32, #tpu.memory_space<vmem>>, vector<1x16xf32>,
        %get3A_256 = vector.shape_cast %get3A_255 : vector<1x16xf32> to vector<16xf32>
        %get3A_257 = arith.index_cast %scan3A_153 : i32 to index
        %get3A_258 = arith.constant 96 : index
        %get3A_259 = tpu.vector_load %arg19[%get3A_257, %get3A_258] {strides = array<i32>} : memref<80x128xf32, #tpu.memory_space<vmem>>, vector<1x16xf32>,
        %get3A_260 = vector.shape_cast %get3A_259 : vector<1x16xf32> to vector<16xf32>
        %add3A_261 = arith.addf %get3A_256, %get3A_260 : vector<16xf32>
        %max3A_262 = arith.constant 0.000000e+00 : f32
        %max3A_263 = vector.broadcast %max3A_262 : f32 to vector<16xf32>
        %max3A_264 = arith.maximumf %add3A_261, %max3A_263 : vector<16xf32>
        %swap3A_265 = arith.index_cast %scan3A_153 : i32 to index
        %swap3A_266 = arith.constant 96 : index
        %swap3A_267 = tpu.vector_load %arg18[%swap3A_265, %swap3A_266] {strides = array<i32>} : memref<80x128xf32, #tpu.memory_space<vmem>>, vector<1x16xf32>,
        %swap3A_268 = vector.shape_cast %swap3A_267 : vector<1x16xf32> to vector<16xf32>
        %swap3A_269 = vector.shape_cast %max3A_264 : vector<16xf32> to vector<1x16xf32>
        tpu.vector_store %arg18[%swap3A_265, %swap3A_266], %swap3A_269 {strides = array<i32>} : memref<80x128xf32, #tpu.memory_space<vmem>>, vector<1x16xf32>,
        %get3A_270 = arith.index_cast %scan3A_153 : i32 to index
        %get3A_271 = arith.constant 112 : index
        %get3A_272 = tpu.vector_load %arg18[%get3A_270, %get3A_271] {strides = array<i32>} : memref<80x128xf32, #tpu.memory_space<vmem>>, vector<1x16xf32>,
        %get3A_273 = vector.shape_cast %get3A_272 : vector<1x16xf32> to vector<16xf32>
        %get3A_274 = arith.index_cast %scan3A_153 : i32 to index
        %get3A_275 = arith.constant 112 : index
        %get3A_276 = tpu.vector_load %arg19[%get3A_274, %get3A_275] {strides = array<i32>} : memref<80x128xf32, #tpu.memory_space<vmem>>, vector<1x16xf32>,
        %get3A_277 = vector.shape_cast %get3A_276 : vector<1x16xf32> to vector<16xf32>
        %add3A_278 = arith.addf %get3A_273, %get3A_277 : vector<16xf32>
        %max3A_279 = arith.constant 0.000000e+00 : f32
        %max3A_280 = vector.broadcast %max3A_279 : f32 to vector<16xf32>
        %max3A_281 = arith.maximumf %add3A_278, %max3A_280 : vector<16xf32>
        %swap3A_282 = arith.index_cast %scan3A_153 : i32 to index
        %swap3A_283 = arith.constant 112 : index
        %swap3A_284 = tpu.vector_load %arg18[%swap3A_282, %swap3A_283] {strides = array<i32>} : memref<80x128xf32, #tpu.memory_space<vmem>>, vector<1x16xf32>,
        %swap3A_285 = vector.shape_cast %swap3A_284 : vector<1x16xf32> to vector<16xf32>
        %swap3A_286 = vector.shape_cast %max3A_281 : vector<16xf32> to vector<1x16xf32>
        tpu.vector_store %arg18[%swap3A_282, %swap3A_283], %swap3A_286 {strides = array<i32>} : memref<80x128xf32, #tpu.memory_space<vmem>>, vector<1x16xf32>,
      }
      %scan3A_152 = arith.constant 80 : i32
      "tpu.region"() ({
        %run_scoped3A = tpu.sem_alloc : memref<!tpu.dma_semaphore, #tpu.memory_space<semaphore_mem>>
        %dma_start3A_153 = arith.constant 0 : i32
        %dma_start3A_154 = arith.constant 0 : i32
        %dma_start3A_155 = tpu.memref_slice %arg21[%dma_start3A_153, %dma_start3A_154] : memref<10240x128xf32, #tpu.memory_space<vmem_shared>> -> memref<10240x128xf32, #tpu.memory_space<vmem_shared>>
        tpu.enqueue_indirect_dma source(%arg18 : memref<80x128xf32, #tpu.memory_space<vmem>>) target(%dma_start3A_155 : memref<10240x128xf32, #tpu.memory_space<vmem_shared>>) offsets(%arg17 : memref<80xi32, #tpu.memory_space<vmem>>) semaphore(%run_scoped3A : memref<!tpu.dma_semaphore, #tpu.memory_space<semaphore_mem>>) {add = true}
        %dma_wait3A_156 = arith.constant 0 : i32
        %dma_wait3A_157 = arith.constant 0 : i32
        %dma_wait3A_158 = tpu.memref_slice %arg21[%dma_wait3A_156, %dma_wait3A_157] : memref<10240x128xf32, #tpu.memory_space<vmem_shared>> -> memref<10240x128xf32, #tpu.memory_space<vmem_shared>>
        tpu.wait_indirect_dma semaphore(%run_scoped3A : memref<!tpu.dma_semaphore, #tpu.memory_space<semaphore_mem>>) src(%arg18 : memref<80x128xf32, #tpu.memory_space<vmem>>) dst(%dma_wait3A_158 : memref<10240x128xf32, #tpu.memory_space<vmem_shared>>)
        tpu.yield
      }) : () -> ()
    }
    %scan3A_99 = arith.constant 125 : i32
    %barrier3A_100 = arith.constant 0 : index
    tpu.barrier barrier_id(%barrier3A_100)
    %mul3A_101 = arith.constant 640 : i32
    %mul3A_102 = arith.muli %arg1, %mul3A_101 : i32
    %mul3A_103 = arith.constant 640 : i32
    %mul3A_104 = arith.muli %arg1, %mul3A_103 : i32
    "tpu.region"() ({
      %run_scoped3A = tpu.sem_alloc : memref<!tpu.dma_semaphore, #tpu.memory_space<semaphore_mem>>
      %dma_start3A = arith.constant 0 : i32
      %dma_start3A_139 = tpu.memref_slice %arg14[%arg0, %mul3A_104, %dma_start3A] : memref<2x10240x128xf32, #tpu.memory_space<hbm>> -> memref<1x640x128xf32, #tpu.memory_space<hbm>>
      %dma_start3A_140 = tpu.memref_squeeze %dma_start3A_139 : memref<1x640x128xf32, #tpu.memory_space<hbm>> -> memref<640x128xf32, #tpu.memory_space<hbm>>
      %dma_start3A_141 = arith.constant 0 : i32
      %dma_start3A_142 = tpu.memref_slice %arg21[%mul3A_102, %dma_start3A_141] : memref<10240x128xf32, #tpu.memory_space<vmem_shared>> -> memref<640x128xf32, #tpu.memory_space<vmem_shared>>
      tpu.enqueue_dma source(%dma_start3A_142 : memref<640x128xf32, #tpu.memory_space<vmem_shared>>) target(%dma_start3A_140 : memref<640x128xf32, #tpu.memory_space<hbm>>) target_semaphore(%run_scoped3A : memref<!tpu.dma_semaphore, #tpu.memory_space<semaphore_mem>>)
      %dma_wait3A = arith.constant 0 : i32
      %dma_wait3A_143 = tpu.memref_slice %arg14[%arg0, %mul3A_104, %dma_wait3A] : memref<2x10240x128xf32, #tpu.memory_space<hbm>> -> memref<1x640x128xf32, #tpu.memory_space<hbm>>
      %dma_wait3A_144 = tpu.memref_squeeze %dma_wait3A_143 : memref<1x640x128xf32, #tpu.memory_space<hbm>> -> memref<640x128xf32, #tpu.memory_space<hbm>>
      %dma_wait3A_145 = arith.constant 0 : i32
      %dma_wait3A_146 = tpu.memref_slice %arg21[%mul3A_102, %dma_wait3A_145] : memref<10240x128xf32, #tpu.memory_space<vmem_shared>> -> memref<640x128xf32, #tpu.memory_space<vmem_shared>>
      tpu.wait_dma2 semaphore(%run_scoped3A : memref<!tpu.dma_semaphore, #tpu.memory_space<semaphore_mem>>) src(%dma_wait3A_146 : memref<640x128xf32, #tpu.memory_space<vmem_shared>>) dst(%dma_wait3A_144 : memref<640x128xf32, #tpu.memory_space<hbm>>)
      tpu.yield
    }) : () -> ()
    %barrier3A_105 = arith.constant 0 : index
    tpu.barrier barrier_id(%barrier3A_105)
    %mul3A_106 = arith.constant 640 : i32
    %mul3A_107 = arith.muli %arg1, %mul3A_106 : i32
    %add3A_108 = arith.constant 0 : i32
    %add3A_109 = arith.addi %mul3A_107, %add3A_108 : i32
    "tpu.region"() ({
      %run_scoped3A = tpu.sem_alloc : memref<!tpu.dma_semaphore, #tpu.memory_space<semaphore_mem>>
      %dma_start3A = arith.constant 0 : i32
      %dma_start3A_139 = tpu.memref_slice %arg21[%add3A_109, %dma_start3A] : memref<10240x128xf32, #tpu.memory_space<vmem_shared>> -> memref<128x128xf32, #tpu.memory_space<vmem_shared>>
      %dma_start3A_140 = arith.constant 0 : i32
      %dma_start3A_141 = tpu.memref_slice %arg21[%add3A_109, %dma_start3A_140] : memref<10240x128xf32, #tpu.memory_space<vmem_shared>> -> memref<128x128xf32, #tpu.memory_space<vmem_shared>>
      tpu.enqueue_dma source(%arg20 : memref<128x128xf32, #tpu.memory_space<vmem>>) target(%dma_start3A_141 : memref<128x128xf32, #tpu.memory_space<vmem_shared>>) target_semaphore(%run_scoped3A : memref<!tpu.dma_semaphore, #tpu.memory_space<semaphore_mem>>)
      %dma_wait3A = arith.constant 0 : i32
      %dma_wait3A_142 = tpu.memref_slice %arg21[%add3A_109, %dma_wait3A] : memref<10240x128xf32, #tpu.memory_space<vmem_shared>> -> memref<128x128xf32, #tpu.memory_space<vmem_shared>>
      %dma_wait3A_143 = arith.constant 0 : i32
      %dma_wait3A_144 = tpu.memref_slice %arg21[%add3A_109, %dma_wait3A_143] : memref<10240x128xf32, #tpu.memory_space<vmem_shared>> -> memref<128x128xf32, #tpu.memory_space<vmem_shared>>
      tpu.wait_dma2 semaphore(%run_scoped3A : memref<!tpu.dma_semaphore, #tpu.memory_space<semaphore_mem>>) src(%arg20 : memref<128x128xf32, #tpu.memory_space<vmem>>) dst(%dma_wait3A_144 : memref<128x128xf32, #tpu.memory_space<vmem_shared>>)
      tpu.yield
    }) : () -> ()
    %mul3A_110 = arith.constant 640 : i32
    %mul3A_111 = arith.muli %arg1, %mul3A_110 : i32
    %add3A_112 = arith.constant 128 : i32
    %add3A_113 = arith.addi %mul3A_111, %add3A_112 : i32
    "tpu.region"() ({
      %run_scoped3A = tpu.sem_alloc : memref<!tpu.dma_semaphore, #tpu.memory_space<semaphore_mem>>
      %dma_start3A = arith.constant 0 : i32
      %dma_start3A_139 = tpu.memref_slice %arg21[%add3A_113, %dma_start3A] : memref<10240x128xf32, #tpu.memory_space<vmem_shared>> -> memref<128x128xf32, #tpu.memory_space<vmem_shared>>
      %dma_start3A_140 = arith.constant 0 : i32
      %dma_start3A_141 = tpu.memref_slice %arg21[%add3A_113, %dma_start3A_140] : memref<10240x128xf32, #tpu.memory_space<vmem_shared>> -> memref<128x128xf32, #tpu.memory_space<vmem_shared>>
      tpu.enqueue_dma source(%arg20 : memref<128x128xf32, #tpu.memory_space<vmem>>) target(%dma_start3A_141 : memref<128x128xf32, #tpu.memory_space<vmem_shared>>) target_semaphore(%run_scoped3A : memref<!tpu.dma_semaphore, #tpu.memory_space<semaphore_mem>>)
      %dma_wait3A = arith.constant 0 : i32
      %dma_wait3A_142 = tpu.memref_slice %arg21[%add3A_113, %dma_wait3A] : memref<10240x128xf32, #tpu.memory_space<vmem_shared>> -> memref<128x128xf32, #tpu.memory_space<vmem_shared>>
      %dma_wait3A_143 = arith.constant 0 : i32
      %dma_wait3A_144 = tpu.memref_slice %arg21[%add3A_113, %dma_wait3A_143] : memref<10240x128xf32, #tpu.memory_space<vmem_shared>> -> memref<128x128xf32, #tpu.memory_space<vmem_shared>>
      tpu.wait_dma2 semaphore(%run_scoped3A : memref<!tpu.dma_semaphore, #tpu.memory_space<semaphore_mem>>) src(%arg20 : memref<128x128xf32, #tpu.memory_space<vmem>>) dst(%dma_wait3A_144 : memref<128x128xf32, #tpu.memory_space<vmem_shared>>)
      tpu.yield
    }) : () -> ()
    %mul3A_114 = arith.constant 640 : i32
    %mul3A_115 = arith.muli %arg1, %mul3A_114 : i32
    %add3A_116 = arith.constant 256 : i32
    %add3A_117 = arith.addi %mul3A_115, %add3A_116 : i32
    "tpu.region"() ({
      %run_scoped3A = tpu.sem_alloc : memref<!tpu.dma_semaphore, #tpu.memory_space<semaphore_mem>>
      %dma_start3A = arith.constant 0 : i32
      %dma_start3A_139 = tpu.memref_slice %arg21[%add3A_117, %dma_start3A] : memref<10240x128xf32, #tpu.memory_space<vmem_shared>> -> memref<128x128xf32, #tpu.memory_space<vmem_shared>>
      %dma_start3A_140 = arith.constant 0 : i32
      %dma_start3A_141 = tpu.memref_slice %arg21[%add3A_117, %dma_start3A_140] : memref<10240x128xf32, #tpu.memory_space<vmem_shared>> -> memref<128x128xf32, #tpu.memory_space<vmem_shared>>
      tpu.enqueue_dma source(%arg20 : memref<128x128xf32, #tpu.memory_space<vmem>>) target(%dma_start3A_141 : memref<128x128xf32, #tpu.memory_space<vmem_shared>>) target_semaphore(%run_scoped3A : memref<!tpu.dma_semaphore, #tpu.memory_space<semaphore_mem>>)
      %dma_wait3A = arith.constant 0 : i32
      %dma_wait3A_142 = tpu.memref_slice %arg21[%add3A_117, %dma_wait3A] : memref<10240x128xf32, #tpu.memory_space<vmem_shared>> -> memref<128x128xf32, #tpu.memory_space<vmem_shared>>
      %dma_wait3A_143 = arith.constant 0 : i32
      %dma_wait3A_144 = tpu.memref_slice %arg21[%add3A_117, %dma_wait3A_143] : memref<10240x128xf32, #tpu.memory_space<vmem_shared>> -> memref<128x128xf32, #tpu.memory_space<vmem_shared>>
      tpu.wait_dma2 semaphore(%run_scoped3A : memref<!tpu.dma_semaphore, #tpu.memory_space<semaphore_mem>>) src(%arg20 : memref<128x128xf32, #tpu.memory_space<vmem>>) dst(%dma_wait3A_144 : memref<128x128xf32, #tpu.memory_space<vmem_shared>>)
      tpu.yield
    }) : () -> ()
    %mul3A_118 = arith.constant 640 : i32
    %mul3A_119 = arith.muli %arg1, %mul3A_118 : i32
    %add3A_120 = arith.constant 384 : i32
    %add3A_121 = arith.addi %mul3A_119, %add3A_120 : i32
    "tpu.region"() ({
      %run_scoped3A = tpu.sem_alloc : memref<!tpu.dma_semaphore, #tpu.memory_space<semaphore_mem>>
      %dma_start3A = arith.constant 0 : i32
      %dma_start3A_139 = tpu.memref_slice %arg21[%add3A_121, %dma_start3A] : memref<10240x128xf32, #tpu.memory_space<vmem_shared>> -> memref<128x128xf32, #tpu.memory_space<vmem_shared>>
      %dma_start3A_140 = arith.constant 0 : i32
      %dma_start3A_141 = tpu.memref_slice %arg21[%add3A_121, %dma_start3A_140] : memref<10240x128xf32, #tpu.memory_space<vmem_shared>> -> memref<128x128xf32, #tpu.memory_space<vmem_shared>>
      tpu.enqueue_dma source(%arg20 : memref<128x128xf32, #tpu.memory_space<vmem>>) target(%dma_start3A_141 : memref<128x128xf32, #tpu.memory_space<vmem_shared>>) target_semaphore(%run_scoped3A : memref<!tpu.dma_semaphore, #tpu.memory_space<semaphore_mem>>)
      %dma_wait3A = arith.constant 0 : i32
      %dma_wait3A_142 = tpu.memref_slice %arg21[%add3A_121, %dma_wait3A] : memref<10240x128xf32, #tpu.memory_space<vmem_shared>> -> memref<128x128xf32, #tpu.memory_space<vmem_shared>>
      %dma_wait3A_143 = arith.constant 0 : i32
      %dma_wait3A_144 = tpu.memref_slice %arg21[%add3A_121, %dma_wait3A_143] : memref<10240x128xf32, #tpu.memory_space<vmem_shared>> -> memref<128x128xf32, #tpu.memory_space<vmem_shared>>
      tpu.wait_dma2 semaphore(%run_scoped3A : memref<!tpu.dma_semaphore, #tpu.memory_space<semaphore_mem>>) src(%arg20 : memref<128x128xf32, #tpu.memory_space<vmem>>) dst(%dma_wait3A_144 : memref<128x128xf32, #tpu.memory_space<vmem_shared>>)
      tpu.yield
    }) : () -> ()
    %mul3A_122 = arith.constant 640 : i32
    %mul3A_123 = arith.muli %arg1, %mul3A_122 : i32
    %add3A_124 = arith.constant 512 : i32
    %add3A_125 = arith.addi %mul3A_123, %add3A_124 : i32
    "tpu.region"() ({
      %run_scoped3A = tpu.sem_alloc : memref<!tpu.dma_semaphore, #tpu.memory_space<semaphore_mem>>
      %dma_start3A = arith.constant 0 : i32
      %dma_start3A_139 = tpu.memref_slice %arg21[%add3A_125, %dma_start3A] : memref<10240x128xf32, #tpu.memory_space<vmem_shared>> -> memref<128x128xf32, #tpu.memory_space<vmem_shared>>
      %dma_start3A_140 = arith.constant 0 : i32
      %dma_start3A_141 = tpu.memref_slice %arg21[%add3A_125, %dma_start3A_140] : memref<10240x128xf32, #tpu.memory_space<vmem_shared>> -> memref<128x128xf32, #tpu.memory_space<vmem_shared>>
      tpu.enqueue_dma source(%arg20 : memref<128x128xf32, #tpu.memory_space<vmem>>) target(%dma_start3A_141 : memref<128x128xf32, #tpu.memory_space<vmem_shared>>) target_semaphore(%run_scoped3A : memref<!tpu.dma_semaphore, #tpu.memory_space<semaphore_mem>>)
      %dma_wait3A = arith.constant 0 : i32
      %dma_wait3A_142 = tpu.memref_slice %arg21[%add3A_125, %dma_wait3A] : memref<10240x128xf32, #tpu.memory_space<vmem_shared>> -> memref<128x128xf32, #tpu.memory_space<vmem_shared>>
      %dma_wait3A_143 = arith.constant 0 : i32
      %dma_wait3A_144 = tpu.memref_slice %arg21[%add3A_125, %dma_wait3A_143] : memref<10240x128xf32, #tpu.memory_space<vmem_shared>> -> memref<128x128xf32, #tpu.memory_space<vmem_shared>>
      tpu.wait_dma2 semaphore(%run_scoped3A : memref<!tpu.dma_semaphore, #tpu.memory_space<semaphore_mem>>) src(%arg20 : memref<128x128xf32, #tpu.memory_space<vmem>>) dst(%dma_wait3A_144 : memref<128x128xf32, #tpu.memory_space<vmem_shared>>)
      tpu.yield
    }) : () -> ()
    %barrier3A_126 = arith.constant 0 : index
    tpu.barrier barrier_id(%barrier3A_126)
    %scan3A_127 = arith.constant 0 : i32
    %scan3A_128 = arith.constant 0 : i32
    %scan3A_129 = arith.constant 125 : i32
    %scan3A_130 = arith.addi %scan3A_128, %scan3A_129 : i32
    %scan3A_131 = arith.constant 1 : i32
    scf.for %scan3A_139 = %scan3A_128 to %scan3A_130 step %scan3A_131  : i32 {
      %mul3A_140 = arith.constant 80 : i32
      %mul3A_141 = arith.muli %scan3A_139, %mul3A_140 : i32
      %add3A_142 = arith.addi %mul3A_2, %mul3A_141 : i32
      "tpu.region"() ({
        %run_scoped3A = tpu.sem_alloc : memref<!tpu.dma_semaphore, #tpu.memory_space<semaphore_mem>>
        %dma_start3A_153 = tpu.memref_slice %arg2[%add3A_142] : memref<320000xi32, #tpu.memory_space<hbm>> -> memref<80xi32, #tpu.memory_space<hbm>>
        %dma_start3A_154 = tpu.memref_slice %arg2[%add3A_142] : memref<320000xi32, #tpu.memory_space<hbm>> -> memref<80xi32, #tpu.memory_space<hbm>>
        tpu.enqueue_dma source(%dma_start3A_154 : memref<80xi32, #tpu.memory_space<hbm>>) target(%arg16 : memref<80xi32, #tpu.memory_space<vmem>>) target_semaphore(%run_scoped3A : memref<!tpu.dma_semaphore, #tpu.memory_space<semaphore_mem>>)
        %dma_wait3A_155 = tpu.memref_slice %arg2[%add3A_142] : memref<320000xi32, #tpu.memory_space<hbm>> -> memref<80xi32, #tpu.memory_space<hbm>>
        %dma_wait3A_156 = tpu.memref_slice %arg2[%add3A_142] : memref<320000xi32, #tpu.memory_space<hbm>> -> memref<80xi32, #tpu.memory_space<hbm>>
        tpu.wait_dma2 semaphore(%run_scoped3A : memref<!tpu.dma_semaphore, #tpu.memory_space<semaphore_mem>>) src(%dma_wait3A_156 : memref<80xi32, #tpu.memory_space<hbm>>) dst(%arg16 : memref<80xi32, #tpu.memory_space<vmem>>)
        tpu.yield
      }) : () -> ()
      "tpu.region"() ({
        %run_scoped3A = tpu.sem_alloc : memref<!tpu.dma_semaphore, #tpu.memory_space<semaphore_mem>>
        %dma_start3A_153 = tpu.memref_slice %arg3[%add3A_142] : memref<320000xi32, #tpu.memory_space<hbm>> -> memref<80xi32, #tpu.memory_space<hbm>>
        %dma_start3A_154 = tpu.memref_slice %arg3[%add3A_142] : memref<320000xi32, #tpu.memory_space<hbm>> -> memref<80xi32, #tpu.memory_space<hbm>>
        tpu.enqueue_dma source(%dma_start3A_154 : memref<80xi32, #tpu.memory_space<hbm>>) target(%arg17 : memref<80xi32, #tpu.memory_space<vmem>>) target_semaphore(%run_scoped3A : memref<!tpu.dma_semaphore, #tpu.memory_space<semaphore_mem>>)
        %dma_wait3A_155 = tpu.memref_slice %arg3[%add3A_142] : memref<320000xi32, #tpu.memory_space<hbm>> -> memref<80xi32, #tpu.memory_space<hbm>>
        %dma_wait3A_156 = tpu.memref_slice %arg3[%add3A_142] : memref<320000xi32, #tpu.memory_space<hbm>> -> memref<80xi32, #tpu.memory_space<hbm>>
        tpu.wait_dma2 semaphore(%run_scoped3A : memref<!tpu.dma_semaphore, #tpu.memory_space<semaphore_mem>>) src(%dma_wait3A_156 : memref<80xi32, #tpu.memory_space<hbm>>) dst(%arg17 : memref<80xi32, #tpu.memory_space<vmem>>)
        tpu.yield
      }) : () -> ()
      %dma_start3A = arith.constant 0 : i32
      %dma_start3A_143 = arith.constant 0 : i32
      %dma_start3A_144 = tpu.memref_slice %arg7[%dma_start3A, %dma_start3A_143] : memref<10000x128xf32, #tpu.memory_space<hbm>> -> memref<10000x128xf32, #tpu.memory_space<hbm>>
      tpu.enqueue_indirect_dma source(%dma_start3A_144 : memref<10000x128xf32, #tpu.memory_space<hbm>>) target(%arg18 : memref<80x128xf32, #tpu.memory_space<vmem>>) offsets(%arg16 : memref<80xi32, #tpu.memory_space<vmem>>) semaphore(%arg22 : memref<!tpu.dma_semaphore, #tpu.memory_space<semaphore_mem>>)
      %dma_wait3A = arith.constant 0 : i32
      %dma_wait3A_145 = arith.constant 0 : i32
      %dma_wait3A_146 = tpu.memref_slice %arg7[%dma_wait3A, %dma_wait3A_145] : memref<10000x128xf32, #tpu.memory_space<hbm>> -> memref<10000x128xf32, #tpu.memory_space<hbm>>
      tpu.wait_indirect_dma semaphore(%arg22 : memref<!tpu.dma_semaphore, #tpu.memory_space<semaphore_mem>>) src(%dma_wait3A_146 : memref<10000x128xf32, #tpu.memory_space<hbm>>) dst(%arg18 : memref<80x128xf32, #tpu.memory_space<vmem>>)
      "tpu.region"() ({
        %run_scoped3A = tpu.sem_alloc : memref<!tpu.dma_semaphore, #tpu.memory_space<semaphore_mem>>
        %dma_start3A_153 = arith.constant 0 : i32
        %dma_start3A_154 = tpu.memref_slice %arg11[%add3A_142, %dma_start3A_153] : memref<320000x128xf32, #tpu.memory_space<hbm>> -> memref<80x128xf32, #tpu.memory_space<hbm>>
        %dma_start3A_155 = arith.constant 0 : i32
        %dma_start3A_156 = tpu.memref_slice %arg11[%add3A_142, %dma_start3A_155] : memref<320000x128xf32, #tpu.memory_space<hbm>> -> memref<80x128xf32, #tpu.memory_space<hbm>>
        tpu.enqueue_dma source(%dma_start3A_156 : memref<80x128xf32, #tpu.memory_space<hbm>>) target(%arg19 : memref<80x128xf32, #tpu.memory_space<vmem>>) target_semaphore(%run_scoped3A : memref<!tpu.dma_semaphore, #tpu.memory_space<semaphore_mem>>)
        %dma_wait3A_157 = arith.constant 0 : i32
        %dma_wait3A_158 = tpu.memref_slice %arg11[%add3A_142, %dma_wait3A_157] : memref<320000x128xf32, #tpu.memory_space<hbm>> -> memref<80x128xf32, #tpu.memory_space<hbm>>
        %dma_wait3A_159 = arith.constant 0 : i32
        %dma_wait3A_160 = tpu.memref_slice %arg11[%add3A_142, %dma_wait3A_159] : memref<320000x128xf32, #tpu.memory_space<hbm>> -> memref<80x128xf32, #tpu.memory_space<hbm>>
        tpu.wait_dma2 semaphore(%run_scoped3A : memref<!tpu.dma_semaphore, #tpu.memory_space<semaphore_mem>>) src(%dma_wait3A_160 : memref<80x128xf32, #tpu.memory_space<hbm>>) dst(%arg19 : memref<80x128xf32, #tpu.memory_space<vmem>>)
        tpu.yield
      }) : () -> ()
      %scan3A_147 = arith.constant 0 : i32
      %scan3A_148 = arith.constant 0 : i32
      %scan3A_149 = arith.constant 80 : i32
      %scan3A_150 = arith.addi %scan3A_148, %scan3A_149 : i32
      %scan3A_151 = arith.constant 1 : i32
      scf.for %scan3A_153 = %scan3A_148 to %scan3A_150 step %scan3A_151  : i32 {
        %get3A = arith.index_cast %scan3A_153 : i32 to index
        %get3A_154 = arith.constant 0 : index
        %get3A_155 = tpu.vector_load %arg18[%get3A, %get3A_154] {strides = array<i32>} : memref<80x128xf32, #tpu.memory_space<vmem>>, vector<1x16xf32>,
        %get3A_156 = vector.shape_cast %get3A_155 : vector<1x16xf32> to vector<16xf32>
        %get3A_157 = arith.index_cast %scan3A_153 : i32 to index
        %get3A_158 = arith.constant 0 : index
        %get3A_159 = tpu.vector_load %arg19[%get3A_157, %get3A_158] {strides = array<i32>} : memref<80x128xf32, #tpu.memory_space<vmem>>, vector<1x16xf32>,
        %get3A_160 = vector.shape_cast %get3A_159 : vector<1x16xf32> to vector<16xf32>
        %add3A_161 = arith.addf %get3A_156, %get3A_160 : vector<16xf32>
        %max3A = arith.constant 0.000000e+00 : f32
        %max3A_162 = vector.broadcast %max3A : f32 to vector<16xf32>
        %max3A_163 = arith.maximumf %add3A_161, %max3A_162 : vector<16xf32>
        %swap3A = arith.index_cast %scan3A_153 : i32 to index
        %swap3A_164 = arith.constant 0 : index
        %swap3A_165 = tpu.vector_load %arg18[%swap3A, %swap3A_164] {strides = array<i32>} : memref<80x128xf32, #tpu.memory_space<vmem>>, vector<1x16xf32>,
        %swap3A_166 = vector.shape_cast %swap3A_165 : vector<1x16xf32> to vector<16xf32>
        %swap3A_167 = vector.shape_cast %max3A_163 : vector<16xf32> to vector<1x16xf32>
        tpu.vector_store %arg18[%swap3A, %swap3A_164], %swap3A_167 {strides = array<i32>} : memref<80x128xf32, #tpu.memory_space<vmem>>, vector<1x16xf32>,
        %get3A_168 = arith.index_cast %scan3A_153 : i32 to index
        %get3A_169 = arith.constant 16 : index
        %get3A_170 = tpu.vector_load %arg18[%get3A_168, %get3A_169] {strides = array<i32>} : memref<80x128xf32, #tpu.memory_space<vmem>>, vector<1x16xf32>,
        %get3A_171 = vector.shape_cast %get3A_170 : vector<1x16xf32> to vector<16xf32>
        %get3A_172 = arith.index_cast %scan3A_153 : i32 to index
        %get3A_173 = arith.constant 16 : index
        %get3A_174 = tpu.vector_load %arg19[%get3A_172, %get3A_173] {strides = array<i32>} : memref<80x128xf32, #tpu.memory_space<vmem>>, vector<1x16xf32>,
        %get3A_175 = vector.shape_cast %get3A_174 : vector<1x16xf32> to vector<16xf32>
        %add3A_176 = arith.addf %get3A_171, %get3A_175 : vector<16xf32>
        %max3A_177 = arith.constant 0.000000e+00 : f32
        %max3A_178 = vector.broadcast %max3A_177 : f32 to vector<16xf32>
        %max3A_179 = arith.maximumf %add3A_176, %max3A_178 : vector<16xf32>
        %swap3A_180 = arith.index_cast %scan3A_153 : i32 to index
        %swap3A_181 = arith.constant 16 : index
        %swap3A_182 = tpu.vector_load %arg18[%swap3A_180, %swap3A_181] {strides = array<i32>} : memref<80x128xf32, #tpu.memory_space<vmem>>, vector<1x16xf32>,
        %swap3A_183 = vector.shape_cast %swap3A_182 : vector<1x16xf32> to vector<16xf32>
        %swap3A_184 = vector.shape_cast %max3A_179 : vector<16xf32> to vector<1x16xf32>
        tpu.vector_store %arg18[%swap3A_180, %swap3A_181], %swap3A_184 {strides = array<i32>} : memref<80x128xf32, #tpu.memory_space<vmem>>, vector<1x16xf32>,
        %get3A_185 = arith.index_cast %scan3A_153 : i32 to index
        %get3A_186 = arith.constant 32 : index
        %get3A_187 = tpu.vector_load %arg18[%get3A_185, %get3A_186] {strides = array<i32>} : memref<80x128xf32, #tpu.memory_space<vmem>>, vector<1x16xf32>,
        %get3A_188 = vector.shape_cast %get3A_187 : vector<1x16xf32> to vector<16xf32>
        %get3A_189 = arith.index_cast %scan3A_153 : i32 to index
        %get3A_190 = arith.constant 32 : index
        %get3A_191 = tpu.vector_load %arg19[%get3A_189, %get3A_190] {strides = array<i32>} : memref<80x128xf32, #tpu.memory_space<vmem>>, vector<1x16xf32>,
        %get3A_192 = vector.shape_cast %get3A_191 : vector<1x16xf32> to vector<16xf32>
        %add3A_193 = arith.addf %get3A_188, %get3A_192 : vector<16xf32>
        %max3A_194 = arith.constant 0.000000e+00 : f32
        %max3A_195 = vector.broadcast %max3A_194 : f32 to vector<16xf32>
        %max3A_196 = arith.maximumf %add3A_193, %max3A_195 : vector<16xf32>
        %swap3A_197 = arith.index_cast %scan3A_153 : i32 to index
        %swap3A_198 = arith.constant 32 : index
        %swap3A_199 = tpu.vector_load %arg18[%swap3A_197, %swap3A_198] {strides = array<i32>} : memref<80x128xf32, #tpu.memory_space<vmem>>, vector<1x16xf32>,
        %swap3A_200 = vector.shape_cast %swap3A_199 : vector<1x16xf32> to vector<16xf32>
        %swap3A_201 = vector.shape_cast %max3A_196 : vector<16xf32> to vector<1x16xf32>
        tpu.vector_store %arg18[%swap3A_197, %swap3A_198], %swap3A_201 {strides = array<i32>} : memref<80x128xf32, #tpu.memory_space<vmem>>, vector<1x16xf32>,
        %get3A_202 = arith.index_cast %scan3A_153 : i32 to index
        %get3A_203 = arith.constant 48 : index
        %get3A_204 = tpu.vector_load %arg18[%get3A_202, %get3A_203] {strides = array<i32>} : memref<80x128xf32, #tpu.memory_space<vmem>>, vector<1x16xf32>,
        %get3A_205 = vector.shape_cast %get3A_204 : vector<1x16xf32> to vector<16xf32>
        %get3A_206 = arith.index_cast %scan3A_153 : i32 to index
        %get3A_207 = arith.constant 48 : index
        %get3A_208 = tpu.vector_load %arg19[%get3A_206, %get3A_207] {strides = array<i32>} : memref<80x128xf32, #tpu.memory_space<vmem>>, vector<1x16xf32>,
        %get3A_209 = vector.shape_cast %get3A_208 : vector<1x16xf32> to vector<16xf32>
        %add3A_210 = arith.addf %get3A_205, %get3A_209 : vector<16xf32>
        %max3A_211 = arith.constant 0.000000e+00 : f32
        %max3A_212 = vector.broadcast %max3A_211 : f32 to vector<16xf32>
        %max3A_213 = arith.maximumf %add3A_210, %max3A_212 : vector<16xf32>
        %swap3A_214 = arith.index_cast %scan3A_153 : i32 to index
        %swap3A_215 = arith.constant 48 : index
        %swap3A_216 = tpu.vector_load %arg18[%swap3A_214, %swap3A_215] {strides = array<i32>} : memref<80x128xf32, #tpu.memory_space<vmem>>, vector<1x16xf32>,
        %swap3A_217 = vector.shape_cast %swap3A_216 : vector<1x16xf32> to vector<16xf32>
        %swap3A_218 = vector.shape_cast %max3A_213 : vector<16xf32> to vector<1x16xf32>
        tpu.vector_store %arg18[%swap3A_214, %swap3A_215], %swap3A_218 {strides = array<i32>} : memref<80x128xf32, #tpu.memory_space<vmem>>, vector<1x16xf32>,
        %get3A_219 = arith.index_cast %scan3A_153 : i32 to index
        %get3A_220 = arith.constant 64 : index
        %get3A_221 = tpu.vector_load %arg18[%get3A_219, %get3A_220] {strides = array<i32>} : memref<80x128xf32, #tpu.memory_space<vmem>>, vector<1x16xf32>,
        %get3A_222 = vector.shape_cast %get3A_221 : vector<1x16xf32> to vector<16xf32>
        %get3A_223 = arith.index_cast %scan3A_153 : i32 to index
        %get3A_224 = arith.constant 64 : index
        %get3A_225 = tpu.vector_load %arg19[%get3A_223, %get3A_224] {strides = array<i32>} : memref<80x128xf32, #tpu.memory_space<vmem>>, vector<1x16xf32>,
        %get3A_226 = vector.shape_cast %get3A_225 : vector<1x16xf32> to vector<16xf32>
        %add3A_227 = arith.addf %get3A_222, %get3A_226 : vector<16xf32>
        %max3A_228 = arith.constant 0.000000e+00 : f32
        %max3A_229 = vector.broadcast %max3A_228 : f32 to vector<16xf32>
        %max3A_230 = arith.maximumf %add3A_227, %max3A_229 : vector<16xf32>
        %swap3A_231 = arith.index_cast %scan3A_153 : i32 to index
        %swap3A_232 = arith.constant 64 : index
        %swap3A_233 = tpu.vector_load %arg18[%swap3A_231, %swap3A_232] {strides = array<i32>} : memref<80x128xf32, #tpu.memory_space<vmem>>, vector<1x16xf32>,
        %swap3A_234 = vector.shape_cast %swap3A_233 : vector<1x16xf32> to vector<16xf32>
        %swap3A_235 = vector.shape_cast %max3A_230 : vector<16xf32> to vector<1x16xf32>
        tpu.vector_store %arg18[%swap3A_231, %swap3A_232], %swap3A_235 {strides = array<i32>} : memref<80x128xf32, #tpu.memory_space<vmem>>, vector<1x16xf32>,
        %get3A_236 = arith.index_cast %scan3A_153 : i32 to index
        %get3A_237 = arith.constant 80 : index
        %get3A_238 = tpu.vector_load %arg18[%get3A_236, %get3A_237] {strides = array<i32>} : memref<80x128xf32, #tpu.memory_space<vmem>>, vector<1x16xf32>,
        %get3A_239 = vector.shape_cast %get3A_238 : vector<1x16xf32> to vector<16xf32>
        %get3A_240 = arith.index_cast %scan3A_153 : i32 to index
        %get3A_241 = arith.constant 80 : index
        %get3A_242 = tpu.vector_load %arg19[%get3A_240, %get3A_241] {strides = array<i32>} : memref<80x128xf32, #tpu.memory_space<vmem>>, vector<1x16xf32>,
        %get3A_243 = vector.shape_cast %get3A_242 : vector<1x16xf32> to vector<16xf32>
        %add3A_244 = arith.addf %get3A_239, %get3A_243 : vector<16xf32>
        %max3A_245 = arith.constant 0.000000e+00 : f32
        %max3A_246 = vector.broadcast %max3A_245 : f32 to vector<16xf32>
        %max3A_247 = arith.maximumf %add3A_244, %max3A_246 : vector<16xf32>
        %swap3A_248 = arith.index_cast %scan3A_153 : i32 to index
        %swap3A_249 = arith.constant 80 : index
        %swap3A_250 = tpu.vector_load %arg18[%swap3A_248, %swap3A_249] {strides = array<i32>} : memref<80x128xf32, #tpu.memory_space<vmem>>, vector<1x16xf32>,
        %swap3A_251 = vector.shape_cast %swap3A_250 : vector<1x16xf32> to vector<16xf32>
        %swap3A_252 = vector.shape_cast %max3A_247 : vector<16xf32> to vector<1x16xf32>
        tpu.vector_store %arg18[%swap3A_248, %swap3A_249], %swap3A_252 {strides = array<i32>} : memref<80x128xf32, #tpu.memory_space<vmem>>, vector<1x16xf32>,
        %get3A_253 = arith.index_cast %scan3A_153 : i32 to index
        %get3A_254 = arith.constant 96 : index
        %get3A_255 = tpu.vector_load %arg18[%get3A_253, %get3A_254] {strides = array<i32>} : memref<80x128xf32, #tpu.memory_space<vmem>>, vector<1x16xf32>,
        %get3A_256 = vector.shape_cast %get3A_255 : vector<1x16xf32> to vector<16xf32>
        %get3A_257 = arith.index_cast %scan3A_153 : i32 to index
        %get3A_258 = arith.constant 96 : index
        %get3A_259 = tpu.vector_load %arg19[%get3A_257, %get3A_258] {strides = array<i32>} : memref<80x128xf32, #tpu.memory_space<vmem>>, vector<1x16xf32>,
        %get3A_260 = vector.shape_cast %get3A_259 : vector<1x16xf32> to vector<16xf32>
        %add3A_261 = arith.addf %get3A_256, %get3A_260 : vector<16xf32>
        %max3A_262 = arith.constant 0.000000e+00 : f32
        %max3A_263 = vector.broadcast %max3A_262 : f32 to vector<16xf32>
        %max3A_264 = arith.maximumf %add3A_261, %max3A_263 : vector<16xf32>
        %swap3A_265 = arith.index_cast %scan3A_153 : i32 to index
        %swap3A_266 = arith.constant 96 : index
        %swap3A_267 = tpu.vector_load %arg18[%swap3A_265, %swap3A_266] {strides = array<i32>} : memref<80x128xf32, #tpu.memory_space<vmem>>, vector<1x16xf32>,
        %swap3A_268 = vector.shape_cast %swap3A_267 : vector<1x16xf32> to vector<16xf32>
        %swap3A_269 = vector.shape_cast %max3A_264 : vector<16xf32> to vector<1x16xf32>
        tpu.vector_store %arg18[%swap3A_265, %swap3A_266], %swap3A_269 {strides = array<i32>} : memref<80x128xf32, #tpu.memory_space<vmem>>, vector<1x16xf32>,
        %get3A_270 = arith.index_cast %scan3A_153 : i32 to index
        %get3A_271 = arith.constant 112 : index
        %get3A_272 = tpu.vector_load %arg18[%get3A_270, %get3A_271] {strides = array<i32>} : memref<80x128xf32, #tpu.memory_space<vmem>>, vector<1x16xf32>,
        %get3A_273 = vector.shape_cast %get3A_272 : vector<1x16xf32> to vector<16xf32>
        %get3A_274 = arith.index_cast %scan3A_153 : i32 to index
        %get3A_275 = arith.constant 112 : index
        %get3A_276 = tpu.vector_load %arg19[%get3A_274, %get3A_275] {strides = array<i32>} : memref<80x128xf32, #tpu.memory_space<vmem>>, vector<1x16xf32>,
        %get3A_277 = vector.shape_cast %get3A_276 : vector<1x16xf32> to vector<16xf32>
        %add3A_278 = arith.addf %get3A_273, %get3A_277 : vector<16xf32>
        %max3A_279 = arith.constant 0.000000e+00 : f32
        %max3A_280 = vector.broadcast %max3A_279 : f32 to vector<16xf32>
        %max3A_281 = arith.maximumf %add3A_278, %max3A_280 : vector<16xf32>
        %swap3A_282 = arith.index_cast %scan3A_153 : i32 to index
        %swap3A_283 = arith.constant 112 : index
        %swap3A_284 = tpu.vector_load %arg18[%swap3A_282, %swap3A_283] {strides = array<i32>} : memref<80x128xf32, #tpu.memory_space<vmem>>, vector<1x16xf32>,
        %swap3A_285 = vector.shape_cast %swap3A_284 : vector<1x16xf32> to vector<16xf32>
        %swap3A_286 = vector.shape_cast %max3A_281 : vector<16xf32> to vector<1x16xf32>
        tpu.vector_store %arg18[%swap3A_282, %swap3A_283], %swap3A_286 {strides = array<i32>} : memref<80x128xf32, #tpu.memory_space<vmem>>, vector<1x16xf32>,
      }
      %scan3A_152 = arith.constant 80 : i32
      "tpu.region"() ({
        %run_scoped3A = tpu.sem_alloc : memref<!tpu.dma_semaphore, #tpu.memory_space<semaphore_mem>>
        %dma_start3A_153 = arith.constant 0 : i32
        %dma_start3A_154 = arith.constant 0 : i32
        %dma_start3A_155 = tpu.memref_slice %arg21[%dma_start3A_153, %dma_start3A_154] : memref<10240x128xf32, #tpu.memory_space<vmem_shared>> -> memref<10240x128xf32, #tpu.memory_space<vmem_shared>>
        tpu.enqueue_indirect_dma source(%arg18 : memref<80x128xf32, #tpu.memory_space<vmem>>) target(%dma_start3A_155 : memref<10240x128xf32, #tpu.memory_space<vmem_shared>>) offsets(%arg17 : memref<80xi32, #tpu.memory_space<vmem>>) semaphore(%run_scoped3A : memref<!tpu.dma_semaphore, #tpu.memory_space<semaphore_mem>>) {add = true}
        %dma_wait3A_156 = arith.constant 0 : i32
        %dma_wait3A_157 = arith.constant 0 : i32
        %dma_wait3A_158 = tpu.memref_slice %arg21[%dma_wait3A_156, %dma_wait3A_157] : memref<10240x128xf32, #tpu.memory_space<vmem_shared>> -> memref<10240x128xf32, #tpu.memory_space<vmem_shared>>
        tpu.wait_indirect_dma semaphore(%run_scoped3A : memref<!tpu.dma_semaphore, #tpu.memory_space<semaphore_mem>>) src(%arg18 : memref<80x128xf32, #tpu.memory_space<vmem>>) dst(%dma_wait3A_158 : memref<10240x128xf32, #tpu.memory_space<vmem_shared>>)
        tpu.yield
      }) : () -> ()
    }
    %scan3A_132 = arith.constant 125 : i32
    %barrier3A_133 = arith.constant 0 : index
    tpu.barrier barrier_id(%barrier3A_133)
    %mul3A_134 = arith.constant 640 : i32
    %mul3A_135 = arith.muli %arg1, %mul3A_134 : i32
    %mul3A_136 = arith.constant 640 : i32
    %mul3A_137 = arith.muli %arg1, %mul3A_136 : i32
    "tpu.region"() ({
      %run_scoped3A = tpu.sem_alloc : memref<!tpu.dma_semaphore, #tpu.memory_space<semaphore_mem>>
      %dma_start3A = arith.constant 0 : i32
      %dma_start3A_139 = tpu.memref_slice %arg15[%arg0, %mul3A_137, %dma_start3A] : memref<2x10240x128xf32, #tpu.memory_space<hbm>> -> memref<1x640x128xf32, #tpu.memory_space<hbm>>
      %dma_start3A_140 = tpu.memref_squeeze %dma_start3A_139 : memref<1x640x128xf32, #tpu.memory_space<hbm>> -> memref<640x128xf32, #tpu.memory_space<hbm>>
      %dma_start3A_141 = arith.constant 0 : i32
      %dma_start3A_142 = tpu.memref_slice %arg21[%mul3A_135, %dma_start3A_141] : memref<10240x128xf32, #tpu.memory_space<vmem_shared>> -> memref<640x128xf32, #tpu.memory_space<vmem_shared>>
      tpu.enqueue_dma source(%dma_start3A_142 : memref<640x128xf32, #tpu.memory_space<vmem_shared>>) target(%dma_start3A_140 : memref<640x128xf32, #tpu.memory_space<hbm>>) target_semaphore(%run_scoped3A : memref<!tpu.dma_semaphore, #tpu.memory_space<semaphore_mem>>)
      %dma_wait3A = arith.constant 0 : i32
      %dma_wait3A_143 = tpu.memref_slice %arg15[%arg0, %mul3A_137, %dma_wait3A] : memref<2x10240x128xf32, #tpu.memory_space<hbm>> -> memref<1x640x128xf32, #tpu.memory_space<hbm>>
      %dma_wait3A_144 = tpu.memref_squeeze %dma_wait3A_143 : memref<1x640x128xf32, #tpu.memory_space<hbm>> -> memref<640x128xf32, #tpu.memory_space<hbm>>
      %dma_wait3A_145 = arith.constant 0 : i32
      %dma_wait3A_146 = tpu.memref_slice %arg21[%mul3A_135, %dma_wait3A_145] : memref<10240x128xf32, #tpu.memory_space<vmem_shared>> -> memref<640x128xf32, #tpu.memory_space<vmem_shared>>
      tpu.wait_dma2 semaphore(%run_scoped3A : memref<!tpu.dma_semaphore, #tpu.memory_space<semaphore_mem>>) src(%dma_wait3A_146 : memref<640x128xf32, #tpu.memory_space<vmem_shared>>) dst(%dma_wait3A_144 : memref<640x128xf32, #tpu.memory_space<hbm>>)
      tpu.yield
    }) : () -> ()
    %barrier3A_138 = arith.constant 0 : index
    tpu.barrier barrier_id(%barrier3A_138)
    return
  }
}

module attributes {stable_mosaic.version = 14 : i64} {
  func.func @_xs_body(%arg0: i32, %arg1: memref<1000x256xf32, #tpu.memory_space<vmem>>, %arg2: memref<256x512xf32, #tpu.memory_space<vmem>>, %arg3: memref<1000x128xf32, #tpu.memory_space<vmem>>, %arg4: memref<1000x128xf32, #tpu.memory_space<vmem>>, %arg5: memref<1000x128xf32, #tpu.memory_space<vmem>>, %arg6: memref<1000x128xf32, #tpu.memory_space<vmem>>) attributes {dimension_semantics = [#tpu.dimension_semantics<arbitrary>], iteration_bounds = array<i64: 10>, scalar_prefetch = 0 : i64, scratch_operands = 0 : i64, tpu.core_type = #tpu.core_type<tc>, window_params = [{transform_indices = @transform_0, window_bounds = array<i64: 1000, 256>}, {pipeline_mode = #tpu.pipeline_mode<synchronous>, transform_indices = @transform_1, window_bounds = array<i64: 256, 512>}, {transform_indices = @transform_2, window_bounds = array<i64: 1000, 128>}, {transform_indices = @transform_3, window_bounds = array<i64: 1000, 128>}, {transform_indices = @transform_4, window_bounds = array<i64: 1000, 128>}, {transform_indices = @transform_5, window_bounds = array<i64: 1000, 128>}]} {
    %get3A = arith.constant 0 : index
    %get3A_0 = arith.constant 0 : index
    %get3A_1 = vector.load %arg1[%get3A, %get3A_0] : memref<1000x256xf32, #tpu.memory_space<vmem>>, vector<1000x256xf32>
    %get3A_2 = arith.constant 0 : index
    %get3A_3 = arith.constant 0 : index
    %get3A_4 = vector.load %arg2[%get3A_2, %get3A_3] : memref<256x512xf32, #tpu.memory_space<vmem>>, vector<256x512xf32>
    %dot_general3A = arith.constant dense<0.000000e+00> : vector<1000x512xf32>
    %dot_general3A_5 = tpu.matmul %get3A_1, %get3A_4, %dot_general3A {dimension_numbers = #tpu.dot_dimension_numbers<[1], [0], [0], [1], [0, 0, 1, 1], [], []>, transpose_lhs_hint = false} : vector<1000x256xf32>, vector<256x512xf32>, vector<1000x512xf32> -> vector<1000x512xf32>
    %slice3A = vector.extract_strided_slice %dot_general3A_5 {offsets = [0, 0], sizes = [1000, 128], strides = [1, 1]} : vector<1000x512xf32> to vector<1000x128xf32>
    %swap3A = arith.constant 0 : index
    %swap3A_6 = arith.constant 0 : index
    %swap3A_7 = vector.load %arg3[%swap3A, %swap3A_6] : memref<1000x128xf32, #tpu.memory_space<vmem>>, vector<1000x128xf32>
    tpu.vector_store %arg3[%swap3A, %swap3A_6], %slice3A {strides = array<i32>} : memref<1000x128xf32, #tpu.memory_space<vmem>>, vector<1000x128xf32>,
    %slice3A_8 = vector.extract_strided_slice %dot_general3A_5 {offsets = [0, 128], sizes = [1000, 128], strides = [1, 1]} : vector<1000x512xf32> to vector<1000x128xf32>
    %swap3A_9 = arith.constant 0 : index
    %swap3A_10 = arith.constant 0 : index
    %swap3A_11 = vector.load %arg4[%swap3A_9, %swap3A_10] : memref<1000x128xf32, #tpu.memory_space<vmem>>, vector<1000x128xf32>
    tpu.vector_store %arg4[%swap3A_9, %swap3A_10], %slice3A_8 {strides = array<i32>} : memref<1000x128xf32, #tpu.memory_space<vmem>>, vector<1000x128xf32>,
    %slice3A_12 = vector.extract_strided_slice %dot_general3A_5 {offsets = [0, 256], sizes = [1000, 128], strides = [1, 1]} : vector<1000x512xf32> to vector<1000x128xf32>
    %swap3A_13 = arith.constant 0 : index
    %swap3A_14 = arith.constant 0 : index
    %swap3A_15 = vector.load %arg5[%swap3A_13, %swap3A_14] : memref<1000x128xf32, #tpu.memory_space<vmem>>, vector<1000x128xf32>
    tpu.vector_store %arg5[%swap3A_13, %swap3A_14], %slice3A_12 {strides = array<i32>} : memref<1000x128xf32, #tpu.memory_space<vmem>>, vector<1000x128xf32>,
    %slice3A_16 = vector.extract_strided_slice %dot_general3A_5 {offsets = [0, 384], sizes = [1000, 128], strides = [1, 1]} : vector<1000x512xf32> to vector<1000x128xf32>
    %swap3A_17 = arith.constant 0 : index
    %swap3A_18 = arith.constant 0 : index
    %swap3A_19 = vector.load %arg6[%swap3A_17, %swap3A_18] : memref<1000x128xf32, #tpu.memory_space<vmem>>, vector<1000x128xf32>
    tpu.vector_store %arg6[%swap3A_17, %swap3A_18], %slice3A_16 {strides = array<i32>} : memref<1000x128xf32, #tpu.memory_space<vmem>>, vector<1000x128xf32>,
    return
  }
  func.func @transform_0(%arg0: i32) -> (i32, i32) {
    %c0_i32 = arith.constant 0 : i32
    %c0_i32_0 = arith.constant 0 : i32
    return %arg0, %c0_i32 : i32, i32
  }
  func.func @transform_1(%arg0: i32) -> (i32, i32) {
    %c0_i32 = arith.constant 0 : i32
    %c0_i32_0 = arith.constant 0 : i32
    %c0_i32_1 = arith.constant 0 : i32
    return %c0_i32, %c0_i32_0 : i32, i32
  }
  func.func @transform_2(%arg0: i32) -> (i32, i32) {
    %c0_i32 = arith.constant 0 : i32
    %c0_i32_0 = arith.constant 0 : i32
    return %arg0, %c0_i32 : i32, i32
  }
  func.func @transform_3(%arg0: i32) -> (i32, i32) {
    %c0_i32 = arith.constant 0 : i32
    %c0_i32_0 = arith.constant 0 : i32
    return %arg0, %c0_i32 : i32, i32
  }
  func.func @transform_4(%arg0: i32) -> (i32, i32) {
    %c0_i32 = arith.constant 0 : i32
    %c0_i32_0 = arith.constant 0 : i32
    return %arg0, %c0_i32 : i32, i32
  }
  func.func @transform_5(%arg0: i32) -> (i32, i32) {
    %c0_i32 = arith.constant 0 : i32
    %c0_i32_0 = arith.constant 0 : i32
    return %arg0, %c0_i32 : i32, i32
  }
}

module attributes {stable_mosaic.version = 14 : i64} {
  func.func @_ep_body(%arg0: i32, %arg1: memref<2000x16xf32, #tpu.memory_space<vmem>>, %arg2: memref<16x512xf32, #tpu.memory_space<vmem>>, %arg3: memref<1x512xf32, #tpu.memory_space<vmem>>, %arg4: memref<2000x128xf32, #tpu.memory_space<vmem>>, %arg5: memref<2000x128xf32, #tpu.memory_space<vmem>>, %arg6: memref<2000x128xf32, #tpu.memory_space<vmem>>, %arg7: memref<2000x128xf32, #tpu.memory_space<vmem>>) attributes {dimension_semantics = [#tpu.dimension_semantics<arbitrary>], iteration_bounds = array<i64: 160>, scalar_prefetch = 0 : i64, scratch_operands = 0 : i64, tpu.core_type = #tpu.core_type<tc>, window_params = [{transform_indices = @transform_0, window_bounds = array<i64: 2000, 16>}, {pipeline_mode = #tpu.pipeline_mode<synchronous>, transform_indices = @transform_1, window_bounds = array<i64: 16, 512>}, {pipeline_mode = #tpu.pipeline_mode<synchronous>, transform_indices = @transform_2, window_bounds = array<i64: 1, 512>}, {transform_indices = @transform_3, window_bounds = array<i64: 2000, 128>}, {transform_indices = @transform_4, window_bounds = array<i64: 2000, 128>}, {transform_indices = @transform_5, window_bounds = array<i64: 2000, 128>}, {transform_indices = @transform_6, window_bounds = array<i64: 2000, 128>}]} {
    %get3A = arith.constant 0 : index
    %get3A_0 = arith.constant 0 : index
    %get3A_1 = vector.load %arg1[%get3A, %get3A_0] : memref<2000x16xf32, #tpu.memory_space<vmem>>, vector<2000x16xf32>
    %get3A_2 = arith.constant 0 : index
    %get3A_3 = arith.constant 0 : index
    %get3A_4 = vector.load %arg2[%get3A_2, %get3A_3] : memref<16x512xf32, #tpu.memory_space<vmem>>, vector<16x512xf32>
    %dot_general3A = arith.constant dense<0.000000e+00> : vector<2000x512xf32>
    %dot_general3A_5 = tpu.matmul %get3A_1, %get3A_4, %dot_general3A {dimension_numbers = #tpu.dot_dimension_numbers<[1], [0], [0], [1], [0, 0, 1, 1], [], []>, transpose_lhs_hint = false} : vector<2000x16xf32>, vector<16x512xf32>, vector<2000x512xf32> -> vector<2000x512xf32>
    %get3A_6 = arith.constant 0 : index
    %get3A_7 = arith.constant 0 : index
    %get3A_8 = vector.load %arg3[%get3A_6, %get3A_7] : memref<1x512xf32, #tpu.memory_space<vmem>>, vector<1x512xf32>
    %add3A = vector.broadcast %get3A_8 : vector<1x512xf32> to vector<2000x512xf32>
    %add3A_9 = arith.addf %dot_general3A_5, %add3A : vector<2000x512xf32>
    %slice3A = vector.extract_strided_slice %add3A_9 {offsets = [0, 0], sizes = [2000, 128], strides = [1, 1]} : vector<2000x512xf32> to vector<2000x128xf32>
    %swap3A = arith.constant 0 : index
    %swap3A_10 = arith.constant 0 : index
    %swap3A_11 = vector.load %arg4[%swap3A, %swap3A_10] : memref<2000x128xf32, #tpu.memory_space<vmem>>, vector<2000x128xf32>
    tpu.vector_store %arg4[%swap3A, %swap3A_10], %slice3A {strides = array<i32>} : memref<2000x128xf32, #tpu.memory_space<vmem>>, vector<2000x128xf32>,
    %slice3A_12 = vector.extract_strided_slice %add3A_9 {offsets = [0, 128], sizes = [2000, 128], strides = [1, 1]} : vector<2000x512xf32> to vector<2000x128xf32>
    %swap3A_13 = arith.constant 0 : index
    %swap3A_14 = arith.constant 0 : index
    %swap3A_15 = vector.load %arg5[%swap3A_13, %swap3A_14] : memref<2000x128xf32, #tpu.memory_space<vmem>>, vector<2000x128xf32>
    tpu.vector_store %arg5[%swap3A_13, %swap3A_14], %slice3A_12 {strides = array<i32>} : memref<2000x128xf32, #tpu.memory_space<vmem>>, vector<2000x128xf32>,
    %slice3A_16 = vector.extract_strided_slice %add3A_9 {offsets = [0, 256], sizes = [2000, 128], strides = [1, 1]} : vector<2000x512xf32> to vector<2000x128xf32>
    %swap3A_17 = arith.constant 0 : index
    %swap3A_18 = arith.constant 0 : index
    %swap3A_19 = vector.load %arg6[%swap3A_17, %swap3A_18] : memref<2000x128xf32, #tpu.memory_space<vmem>>, vector<2000x128xf32>
    tpu.vector_store %arg6[%swap3A_17, %swap3A_18], %slice3A_16 {strides = array<i32>} : memref<2000x128xf32, #tpu.memory_space<vmem>>, vector<2000x128xf32>,
    %slice3A_20 = vector.extract_strided_slice %add3A_9 {offsets = [0, 384], sizes = [2000, 128], strides = [1, 1]} : vector<2000x512xf32> to vector<2000x128xf32>
    %swap3A_21 = arith.constant 0 : index
    %swap3A_22 = arith.constant 0 : index
    %swap3A_23 = vector.load %arg7[%swap3A_21, %swap3A_22] : memref<2000x128xf32, #tpu.memory_space<vmem>>, vector<2000x128xf32>
    tpu.vector_store %arg7[%swap3A_21, %swap3A_22], %slice3A_20 {strides = array<i32>} : memref<2000x128xf32, #tpu.memory_space<vmem>>, vector<2000x128xf32>,
    return
  }
  func.func @transform_0(%arg0: i32) -> (i32, i32) {
    %c0_i32 = arith.constant 0 : i32
    %c0_i32_0 = arith.constant 0 : i32
    return %arg0, %c0_i32 : i32, i32
  }
  func.func @transform_1(%arg0: i32) -> (i32, i32) {
    %c0_i32 = arith.constant 0 : i32
    %c0_i32_0 = arith.constant 0 : i32
    %c0_i32_1 = arith.constant 0 : i32
    return %c0_i32, %c0_i32_0 : i32, i32
  }
  func.func @transform_2(%arg0: i32) -> (i32, i32) {
    %c0_i32 = arith.constant 0 : i32
    %c0_i32_0 = arith.constant 0 : i32
    %c0_i32_1 = arith.constant 0 : i32
    return %c0_i32, %c0_i32_0 : i32, i32
  }
  func.func @transform_3(%arg0: i32) -> (i32, i32) {
    %c0_i32 = arith.constant 0 : i32
    %c0_i32_0 = arith.constant 0 : i32
    return %arg0, %c0_i32 : i32, i32
  }
  func.func @transform_4(%arg0: i32) -> (i32, i32) {
    %c0_i32 = arith.constant 0 : i32
    %c0_i32_0 = arith.constant 0 : i32
    return %arg0, %c0_i32 : i32, i32
  }
  func.func @transform_5(%arg0: i32) -> (i32, i32) {
    %c0_i32 = arith.constant 0 : i32
    %c0_i32_0 = arith.constant 0 : i32
    return %arg0, %c0_i32 : i32, i32
  }
  func.func @transform_6(%arg0: i32) -> (i32, i32) {
    %c0_i32 = arith.constant 0 : i32
    %c0_i32_0 = arith.constant 0 : i32
    return %arg0, %c0_i32 : i32, i32
  }
}

module attributes {stable_mosaic.version = 14 : i64} {
  func.func @_combine_body(%arg0: i32, %arg1: memref<2x1000x128xf32, #tpu.memory_space<vmem>>, %arg2: memref<2x1000x128xf32, #tpu.memory_space<vmem>>, %arg3: memref<2x1000x128xf32, #tpu.memory_space<vmem>>, %arg4: memref<2x1000x128xf32, #tpu.memory_space<vmem>>, %arg5: memref<1000x128xf32, #tpu.memory_space<vmem>>, %arg6: memref<1000x128xf32, #tpu.memory_space<vmem>>, %arg7: memref<1000x128xf32, #tpu.memory_space<vmem>>) attributes {dimension_semantics = [#tpu.dimension_semantics<arbitrary>], iteration_bounds = array<i64: 10>, scalar_prefetch = 0 : i64, scratch_operands = 0 : i64, tpu.core_type = #tpu.core_type<tc>, window_params = [{transform_indices = @transform_0, window_bounds = array<i64: 2, 1000, 128>}, {transform_indices = @transform_1, window_bounds = array<i64: 2, 1000, 128>}, {transform_indices = @transform_2, window_bounds = array<i64: 2, 1000, 128>}, {transform_indices = @transform_3, window_bounds = array<i64: 2, 1000, 128>}, {transform_indices = @transform_4, window_bounds = array<i64: 1000, 128>}, {transform_indices = @transform_5, window_bounds = array<i64: 1000, 128>}, {transform_indices = @transform_6, window_bounds = array<i64: 1000, 128>}]} {
    %get3A = arith.constant 0 : index
    %get3A_0 = arith.constant 0 : index
    %get3A_1 = arith.constant 0 : index
    %get3A_2 = vector.load %arg1[%get3A, %get3A_0, %get3A_1] : memref<2x1000x128xf32, #tpu.memory_space<vmem>>, vector<1x1000x128xf32>
    %get3A_3 = vector.shape_cast %get3A_2 : vector<1x1000x128xf32> to vector<1000x128xf32>
    %get3A_4 = arith.constant 1 : index
    %get3A_5 = arith.constant 0 : index
    %get3A_6 = arith.constant 0 : index
    %get3A_7 = vector.load %arg1[%get3A_4, %get3A_5, %get3A_6] : memref<2x1000x128xf32, #tpu.memory_space<vmem>>, vector<1x1000x128xf32>
    %get3A_8 = vector.shape_cast %get3A_7 : vector<1x1000x128xf32> to vector<1000x128xf32>
    %add3A = arith.addf %get3A_3, %get3A_8 : vector<1000x128xf32>
    %logistic3A = arith.negf %add3A : vector<1000x128xf32>
    %logistic3A_9 = math.exp %logistic3A : vector<1000x128xf32>
    %logistic3A_10 = arith.constant 1.000000e+00 : f32
    %logistic3A_11 = vector.broadcast %logistic3A_10 : f32 to vector<1000x128xf32>
    %logistic3A_12 = arith.addf %logistic3A_11, %logistic3A_9 : vector<1000x128xf32>
    %logistic3A_13 = arith.divf %logistic3A_11, %logistic3A_12 : vector<1000x128xf32>
    %get3A_14 = arith.constant 0 : index
    %get3A_15 = arith.constant 0 : index
    %get3A_16 = arith.constant 0 : index
    %get3A_17 = vector.load %arg2[%get3A_14, %get3A_15, %get3A_16] : memref<2x1000x128xf32, #tpu.memory_space<vmem>>, vector<1x1000x128xf32>
    %get3A_18 = vector.shape_cast %get3A_17 : vector<1x1000x128xf32> to vector<1000x128xf32>
    %get3A_19 = arith.constant 1 : index
    %get3A_20 = arith.constant 0 : index
    %get3A_21 = arith.constant 0 : index
    %get3A_22 = vector.load %arg2[%get3A_19, %get3A_20, %get3A_21] : memref<2x1000x128xf32, #tpu.memory_space<vmem>>, vector<1x1000x128xf32>
    %get3A_23 = vector.shape_cast %get3A_22 : vector<1x1000x128xf32> to vector<1000x128xf32>
    %add3A_24 = arith.addf %get3A_18, %get3A_23 : vector<1000x128xf32>
    %logistic3A_25 = arith.negf %add3A_24 : vector<1000x128xf32>
    %logistic3A_26 = math.exp %logistic3A_25 : vector<1000x128xf32>
    %logistic3A_27 = arith.constant 1.000000e+00 : f32
    %logistic3A_28 = vector.broadcast %logistic3A_27 : f32 to vector<1000x128xf32>
    %logistic3A_29 = arith.addf %logistic3A_28, %logistic3A_26 : vector<1000x128xf32>
    %logistic3A_30 = arith.divf %logistic3A_28, %logistic3A_29 : vector<1000x128xf32>
    %get3A_31 = arith.constant 0 : index
    %get3A_32 = arith.constant 0 : index
    %get3A_33 = arith.constant 0 : index
    %get3A_34 = vector.load %arg3[%get3A_31, %get3A_32, %get3A_33] : memref<2x1000x128xf32, #tpu.memory_space<vmem>>, vector<1x1000x128xf32>
    %get3A_35 = vector.shape_cast %get3A_34 : vector<1x1000x128xf32> to vector<1000x128xf32>
    %get3A_36 = arith.constant 1 : index
    %get3A_37 = arith.constant 0 : index
    %get3A_38 = arith.constant 0 : index
    %get3A_39 = vector.load %arg3[%get3A_36, %get3A_37, %get3A_38] : memref<2x1000x128xf32, #tpu.memory_space<vmem>>, vector<1x1000x128xf32>
    %get3A_40 = vector.shape_cast %get3A_39 : vector<1x1000x128xf32> to vector<1000x128xf32>
    %add3A_41 = arith.addf %get3A_35, %get3A_40 : vector<1000x128xf32>
    %tanh3A = math.tanh %add3A_41 : vector<1000x128xf32>
    %get3A_42 = arith.constant 0 : index
    %get3A_43 = arith.constant 0 : index
    %get3A_44 = arith.constant 0 : index
    %get3A_45 = vector.load %arg4[%get3A_42, %get3A_43, %get3A_44] : memref<2x1000x128xf32, #tpu.memory_space<vmem>>, vector<1x1000x128xf32>
    %get3A_46 = vector.shape_cast %get3A_45 : vector<1x1000x128xf32> to vector<1000x128xf32>
    %get3A_47 = arith.constant 1 : index
    %get3A_48 = arith.constant 0 : index
    %get3A_49 = arith.constant 0 : index
    %get3A_50 = vector.load %arg4[%get3A_47, %get3A_48, %get3A_49] : memref<2x1000x128xf32, #tpu.memory_space<vmem>>, vector<1x1000x128xf32>
    %get3A_51 = vector.shape_cast %get3A_50 : vector<1x1000x128xf32> to vector<1000x128xf32>
    %add3A_52 = arith.addf %get3A_46, %get3A_51 : vector<1000x128xf32>
    %logistic3A_53 = arith.negf %add3A_52 : vector<1000x128xf32>
    %logistic3A_54 = math.exp %logistic3A_53 : vector<1000x128xf32>
    %logistic3A_55 = arith.constant 1.000000e+00 : f32
    %logistic3A_56 = vector.broadcast %logistic3A_55 : f32 to vector<1000x128xf32>
    %logistic3A_57 = arith.addf %logistic3A_56, %logistic3A_54 : vector<1000x128xf32>
    %logistic3A_58 = arith.divf %logistic3A_56, %logistic3A_57 : vector<1000x128xf32>
    %get3A_59 = arith.constant 0 : index
    %get3A_60 = arith.constant 0 : index
    %get3A_61 = vector.load %arg5[%get3A_59, %get3A_60] : memref<1000x128xf32, #tpu.memory_space<vmem>>, vector<1000x128xf32>
    %mul3A = arith.mulf %logistic3A_30, %get3A_61 : vector<1000x128xf32>
    %mul3A_62 = arith.mulf %logistic3A_13, %tanh3A : vector<1000x128xf32>
    %add3A_63 = arith.addf %mul3A, %mul3A_62 : vector<1000x128xf32>
    %tanh3A_64 = math.tanh %add3A_63 : vector<1000x128xf32>
    %mul3A_65 = arith.mulf %logistic3A_58, %tanh3A_64 : vector<1000x128xf32>
    %swap3A = arith.constant 0 : index
    %swap3A_66 = arith.constant 0 : index
    %swap3A_67 = vector.load %arg6[%swap3A, %swap3A_66] : memref<1000x128xf32, #tpu.memory_space<vmem>>, vector<1000x128xf32>
    tpu.vector_store %arg6[%swap3A, %swap3A_66], %mul3A_65 {strides = array<i32>} : memref<1000x128xf32, #tpu.memory_space<vmem>>, vector<1000x128xf32>,
    %swap3A_68 = arith.constant 0 : index
    %swap3A_69 = arith.constant 0 : index
    %swap3A_70 = vector.load %arg7[%swap3A_68, %swap3A_69] : memref<1000x128xf32, #tpu.memory_space<vmem>>, vector<1000x128xf32>
    tpu.vector_store %arg7[%swap3A_68, %swap3A_69], %add3A_63 {strides = array<i32>} : memref<1000x128xf32, #tpu.memory_space<vmem>>, vector<1000x128xf32>,
    return
  }
  func.func @transform_0(%arg0: i32) -> (i32, i32, i32) {
    %c0_i32 = arith.constant 0 : i32
    %c0_i32_0 = arith.constant 0 : i32
    %c0_i32_1 = arith.constant 0 : i32
    return %c0_i32, %arg0, %c0_i32_0 : i32, i32, i32
  }
  func.func @transform_1(%arg0: i32) -> (i32, i32, i32) {
    %c0_i32 = arith.constant 0 : i32
    %c0_i32_0 = arith.constant 0 : i32
    %c0_i32_1 = arith.constant 0 : i32
    return %c0_i32, %arg0, %c0_i32_0 : i32, i32, i32
  }
  func.func @transform_2(%arg0: i32) -> (i32, i32, i32) {
    %c0_i32 = arith.constant 0 : i32
    %c0_i32_0 = arith.constant 0 : i32
    %c0_i32_1 = arith.constant 0 : i32
    return %c0_i32, %arg0, %c0_i32_0 : i32, i32, i32
  }
  func.func @transform_3(%arg0: i32) -> (i32, i32, i32) {
    %c0_i32 = arith.constant 0 : i32
    %c0_i32_0 = arith.constant 0 : i32
    %c0_i32_1 = arith.constant 0 : i32
    return %c0_i32, %arg0, %c0_i32_0 : i32, i32, i32
  }
  func.func @transform_4(%arg0: i32) -> (i32, i32) {
    %c0_i32 = arith.constant 0 : i32
    %c0_i32_0 = arith.constant 0 : i32
    return %arg0, %c0_i32 : i32, i32
  }
  func.func @transform_5(%arg0: i32) -> (i32, i32) {
    %c0_i32 = arith.constant 0 : i32
    %c0_i32_0 = arith.constant 0 : i32
    return %arg0, %c0_i32 : i32, i32
  }
  func.func @transform_6(%arg0: i32) -> (i32, i32) {
    %c0_i32 = arith.constant 0 : i32
    %c0_i32_0 = arith.constant 0 : i32
    return %arg0, %c0_i32 : i32, i32
  }
}

</mosaic_0001>

<sc_bundles>
// kernel: kernel.6.cloned.1.call-start
scs
__scs_entry_jumppad:
0x0: {  	(pc) =	sbr.rel $0x88, $3  }
0x1: {  	(tag) =	ssettag $0x0;
	lr =	simm.s32 $0x1  }
0x2: {  	[smem:$0x3F90] =	sst lr;
	_ =	strace $0xD0000000  }
0x3: {  	_ = 	snop  }
0x4: {  	_ = 	snop  }
0x5: {  	_ = 	snop  }
0x6: {  	_ = 	snop  }
0x7: {  	_ = 	snop  }
__scs_overlays_trampoline_lowered:
0x8: {  	[smem:$0x3F9F] =	sst s0  }
0x9: {  	[smem:$0x3FA0] =	sst s1  }
0xa: {  	[smem:$0x3FA1] =	sst s2  }
0xb: {  	[smem:$0x3FA2] =	sst s3  }
0xc: {  	[smem:$0x3FA3] =	sst s4  }
0xd: {  	[smem:$0x3FA4] =	sst s5  }
0xe: {  	[smem:$0x3FA5] =	sst s6  }
0xf: {  	[smem:$0x3FA6] =	sst s7  }
0x10: {  	[smem:$0x3FA7] =	sst s8  }
0x11: {  	[smem:$0x3FA8] =	sst s9;
	s0 =	simm.s32 @!p0 $0x0  }
0x12: {  	s1 =	sld [smem:$0x3F8E];
	s0 =	simm.s32 @p0 $0x1  }
0x13: {  	[smem:$0x3FA9] =	sst s0;
	s0 =	simm.s32 @!p1 $0x0  }
0x14: {  	s2 =	sld [smem:$0x3F8D];
	s0 =	simm.s32 @p1 $0x1  }
0x15: {  	[smem:$0x3FAA] =	sst s0;
	s0 =	simm.s32 @!p2 $0x0  }
0x16: {  	s3 =	sld [smem:$0x3FDB];
	s0 =	simm.s32 @p2 $0x1  }
0x17: {  	s4 =	simm.s32 $0x1BF5;
	[smem:$0x3FAC] =	sst s0  }
0x18: {  	s0 =	sld [smem:$0x3F8F];
	_ =	swait.ge [sflag:s4], $0x0  }
0x19: {  	s7 =	sld [smem:$0x3F90]  }
0x1a: {  	s8 =	sadd.s32 $0xFFFFE003, lr  }
0x1b: {  	s9 =	sadd.s32 $0xFFFFFEF7, lr;
	s5 =	simm.s32 $0xFFFFFFFF;
	p2 =	slt.u32 s8, $0xFFFFF086  }
0x1c: {  	p1 =	slt.u32 s9, $0xF7A;
	s5 =	simm.s32 @!p2 $0x0  }
0x1d: {  	s5 =	simm.s32 @p1 $0x1;
	p0 =	seq.s32 s7, s2  }
0x1e: {  	s7 =	smul.u32 @!p0 $0xF7A, s2;
	p2 =	seq.s32 @!p0 s5, $0x0  }
0x1f: {  	s9 =	smul.u32 $0xF7A, s1;
	s8 =	simm.s32 @!p0 $0x1BF5;
	p2 =	por !p2, p0  }
0x20: {  	[sflag:s8] =	ssyncset.s32 @!p0 $0xFFFFF086;
	s6 =	sadd.s32 @!p0 s3, s7;
	s7 =	simm.s32 @!p0 $0x108  }
0x21: {  	s3 =	sadd.s32 s3, s9;
	s6 =	sadd.s32 @!p0 $0x88, s6;
	s7 =	simm.s32 @p2 $0x1082  }
0x22: {  	[simem:s7], [sflag:s8] =	dma.local @!p0 [hbm:s6], $0xF7A  }
0x23: {  	s9 =	sor.u32 $0xD0000000, s2;
	s6 =	simm.s32 $0x108;
	_ =	swait.ge @!p0 [sflag:s8], $0x0  }
0x24: {  	s3 =	sadd.s32 $0x88, s3;
	s6 =	simm.s32 @!p1 $0x1082;
	[sflag:s4] =	ssyncset.s32 $0xFFFFF086  }
0x25: {  	[simem:s6], [sflag:s4] =	dma.local [hbm:s3], $0xF7A  }
0x26: {  	[smem:$0x3F90] =	sst s1;
	(tag) =	ssettag s2;
	_ =	strace s9  }
0x27: {  	s1 =	sld [smem:$0x3FA0]  }
0x28: {  	s2 =	sld [smem:$0x3FA1]  }
0x29: {  	s4 =	sld [smem:$0x3FA3]  }
0x2a: {  	p0 =	seq.s32 s5, $0x0;
	s5 =	sld [smem:$0x3FA4]  }
0x2b: {  	s6 =	sld [smem:$0x3FA5]  }
0x2c: {  	s7 =	sld [smem:$0x3FA6]  }
0x2d: {  	s3 =	simm.s32 $0x108;
	s8 =	sld [smem:$0x3FA7]  }
0x2e: {  	s3 =	simm.s32 @!p0 $0x1082;
	s9 =	sld [smem:$0x3FA8]  }
0x2f: {  	lr =	sadd.s32 s0, s3;
	s0 =	sld [smem:$0x3F9F]  }
0x30: {  	s3 =	sld [smem:$0x3FA2]  }
0x31: {  	[smem:$0x3FAB] =	sst s10  }
0x32: {  	s10 =	sld [smem:$0x3FA9];
	_ =	sdelay $0x3  }
0x33: {  	p0 =	seq.s32 s10, $0x1;
	s10 =	sld [smem:$0x3FAB];
	_ =	sdelay $0x3  }
0x34: {  	[smem:$0x3FAB] =	sst s10  }
0x35: {  	s10 =	sld [smem:$0x3FAA];
	_ =	sdelay $0x3  }
0x36: {  	p1 =	seq.s32 s10, $0x1;
	s10 =	sld [smem:$0x3FAB];
	_ =	sdelay $0x3  }
0x37: {  	[smem:$0x3FAB] =	sst s10  }
0x38: {  	s10 =	sld [smem:$0x3FAC]  }
0x39: {  	_ = 	snop;
	(pc) =	sbr.ind lr, $3  }
0x3a: {  	_ = 	snop  }
0x3b: {  	_ = 	snop  }
0x3c: {  	p2 =	seq.s32 s10, $0x1;
	s10 =	sld [smem:$0x3FAB]  }
0x3d: {  	_ =	shalt  }
0x3e: {  	_ =	shalt  }
0x3f: {  	_ =	shalt  }
0x40: {  	_ =	shalt  }
0x41: {  	_ =	shalt  }
0x42: {  	_ =	shalt  }
0x43: {  	_ =	shalt  }
0x44: {  	_ =	shalt  }
0x45: {  	_ =	shalt  }
0x46: {  	_ =	shalt  }
0x47: {  	_ =	shalt  }
0x48: {  	_ =	shalt  }
0x49: {  	_ =	shalt  }
0x4a: {  	_ =	shalt  }
0x4b: {  	_ =	shalt  }
0x4c: {  	_ =	shalt  }
0x4d: {  	_ =	shalt  }
0x4e: {  	_ =	shalt  }
0x4f: {  	_ =	shalt  }
0x50: {  	_ =	shalt  }
0x51: {  	_ =	shalt  }
0x52: {  	_ =	shalt  }
0x53: {  	_ =	shalt  }
0x54: {  	_ =	shalt  }
0x55: {  	_ =	shalt  }
0x56: {  	_ =	shalt  }
0x57: {  	_ =	shalt  }
0x58: {  	_ =	shalt  }
0x59: {  	_ =	shalt  }
0x5a: {  	_ =	shalt  }
0x5b: {  	_ =	shalt  }
0x5c: {  	_ =	shalt  }
0x5d: {  	_ =	shalt  }
0x5e: {  	_ =	shalt  }
0x5f: {  	_ =	shalt  }
0x60: {  	_ =	shalt  }
0x61: {  	_ =	shalt  }
0x62: {  	_ =	shalt  }
0x63: {  	_ =	shalt  }
0x64: {  	_ =	shalt  }
0x65: {  	_ =	shalt  }
0x66: {  	_ =	shalt  }
0x67: {  	_ =	shalt  }
0x68: {  	_ =	shalt  }
0x69: {  	_ =	shalt  }
0x6a: {  	_ =	shalt  }
0x6b: {  	_ =	shalt  }
0x6c: {  	_ =	shalt  }
0x6d: {  	_ =	shalt  }
0x6e: {  	_ =	shalt  }
0x6f: {  	_ =	shalt  }
0x70: {  	_ =	shalt  }
0x71: {  	_ =	shalt  }
0x72: {  	_ =	shalt  }
0x73: {  	_ =	shalt  }
0x74: {  	_ =	shalt  }
0x75: {  	_ =	shalt  }
0x76: {  	_ =	shalt  }
0x77: {  	_ =	shalt  }
0x78: {  	_ =	shalt  }
0x79: {  	_ =	shalt  }
0x7a: {  	_ =	shalt  }
0x7b: {  	_ =	shalt  }
0x7c: {  	_ =	shalt  }
0x7d: {  	_ =	shalt  }
0x7e: {  	_ =	shalt  }
0x7f: {  	_ =	shalt  }
0x80: {  	_ =	shalt  }
0x81: {  	_ =	shalt  }
0x82: {  	_ =	shalt  }
0x83: {  	_ =	shalt  }
0x84: {  	_ =	shalt  }
0x85: {  	_ =	shalt  }
0x86: {  	_ =	shalt  }
0x87: {  	_ =	shalt  }
.Lfunc_end0:
.L_simem_size_0:
called_computation_lowered:
.L_overlay_start_0:
0x88: {  	s2 =	sld [smem:$0x3FD9]  }
0x89: {  	s3 =	sld [smem:$0x3FFE];
	_ =	sdelay $0x1  }
0x8a: {  	s1 =	srdreg.scid  }
0x8b: {  	s0 =	sand.u32 $0x1, s1  }
0x8c: {  	s14 =	sshll.u32 s0, $0xA;
	s2 =	sadd.s32 s3, s2  }
0x8d: {  	s2 =	sadd.s32 s2, s14  }
0x8e: {  	[smem:$0x3FB7] =	sst s2  }
0x8f: {  	_ = 	snop  }
0x90: {  	s2 =	sld [smem:$0x3FD0];
	_ =	sdelay $0x2  }
0x91: {  	s15 =	simm.s32 $0xA;
	s4 =	simm.s32 $0x10  }
0x92: {  	[smem:s4], [sflag:s15] =	dma.local [hbm:s2], $0x1  }
0x93: {  	_ =	swait.eq [sflag:s15], $0x1  }
0x94: {  	[sflag:s15] =	ssyncset.done $0x0  }
0x95: {  	s16 =	sld [smem:$0x10];
	[sflag:s15] =	ssyncadd.s32 $0xFFFFFFFF  }
0x96: {  	s17 =	sld [smem:$0x11];
	(tm) =	ssettm $0x1  }
0x97: {  	s18 =	sld [smem:$0x3FFB];
	_ =	sdelay $0x3  }
0x98: {  	_ =	strace s18  }
0x99: {  	s4 =	sld [smem:$0x3FFC];
	_ =	sdelay $0x3  }
0x9a: {  	_ =	strace s4  }
0x9b: {  	s4 =	sld [smem:$0x3FFD];
	_ =	sdelay $0x3  }
0x9c: {  	_ =	strace s4  }
0x9d: {  	_ =	strace $0x8FFFFFFF  }
0x9e: {  	s19 =	sld [smem:$0x3FDB];
	_ =	sdelay $0x1  }
0x9f: {  	s5 =	simm.s32 $_scs_section_size  }
0xa0: {  	s6 =	simm.s32 $_size__tile_overlayer_lowered;
	s7 =	simm.s32 $_tile_overlayer_lowered  }
0xa1: {  	s22 =	simm.s32 $0x1BFF;
	s21 =	sshll.u32 s7, $0x1;
	s4 =	sadd.s32 s5, s19  }
0xa2: {  	s8 =	simm.s32 $0x0;
	s20 =	sshll.u32 s6, $0x1;
	s6 =	sadd.s32 s21, s4  }
0xa3: {  	[timem:s8], [sflag:s22] =	dma.local [hbm:s6], s20  }
0xa4: {  	_ =	swait.ge [sflag:s22], s20  }
0xa5: {  	s5 =	ssub.s32 $0x0, s20;
	[sflag:s22] =	ssyncset.done $0x0  }
0xa6: {  	[sflag:s22] =	ssyncadd.s32 s5;
	_ =	sdelay $0x1  }
0xa7: {  	s23 =	simm.s32 $0x1B8B  }
0xa8: {  	_ =	swait.ge [sflag:s23], $0x1  }
0xa9: {  	[sflag:s23] =	ssyncset.done $0x0  }
0xaa: {  	s25 =	simm.s32 $0x1B8E;
	s24 =	sld [smem:$0x3FFE];
	[sflag:s23] =	ssyncadd.s32 $0xFFFFFFFF  }
0xab: {  	s26 =	simm.s32 $execute0_lowered;
	[smem:$0x3FD2] =	sst s25  }
0xac: {  	s6 =	sshll.u32 s26, $0x1;
	_ =	strace $0x80000046;
	[dreg:$0x1] =	wrdreg $0xFFFFFFFF  }
0xad: {  	s28 =	simm.s32 $_size_execute0_lowered;
	s4 =	sadd.s32 s4, s6;
	[dreg:$0x0] =	wrdreg $0x0  }
0xae: {  	s6 =	sshll.u32 s28, $0x1;
	[dreg:$0x2] =	wrdreg s4  }
0xaf: {  	[dreg:$0x3] =	wrdreg s6  }
0xb0: {  	[dreg:$0x4] =	wrdreg $0xC0  }
0xb1: {  	_ =	task [dreg:s8], $0x5FFFF  }
0xb2: {  	[dreg:$0x1] =	wrdreg $0xFFFFFFFF  }
0xb3: {  	[dreg:$0x0] =	wrdreg $0x60  }
0xb4: {  	[dreg:$0x2] =	wrdreg s24  }
0xb5: {  	[dreg:$0x3] =	wrdreg s17  }
0xb6: {  	[dreg:$0x4] =	wrdreg s16  }
0xb7: {  	[dreg:$0x5] =	wrdreg $0x91000  }
0xb8: {  	[dreg:$0x6] =	wrdreg $0x9  }
0xb9: {  	_ =	task.clear_ibuf [dreg:s8], $0x7FFFF;
	_ =	strace $0x90000046  }
0xba: {  	s29 =	simm.s32 $0x9;
	_ =	strace $0x80000048  }
0xbb: {  	_ =	swait.ge [sflag:s29], $0x1  }
0xbc: {  	[sflag:s29] =	ssyncadd.s32 $0xFFFFFFFF  }
0xbd: {  	_ =	strace $0x90000048  }
0xbe: {  	_ =	sfence  }
0xbf: {  	s30 =	sld [smem:$0x0];
	_ =	sdelay $0x2  }
0xc0: {  	s31 =	sshll.u32 s1, $0xD;
	s1 =	sshrl.u32 s1, $0x2  }
0xc1: {  	s3 =	sand.u32 $0x4000, s31;
	s1 =	sadd.s32 s1, s30  }
0xc2: {  	s0 =	sor.u32 s3, s0;
	s1 =	sshll.u32 s1, $0x11  }
0xc3: {  	s0 =	sor.u32 s1, s0  }
0xc4: {  	s0 =	sadd.s32 $0x8F2B, s0  }
0xc5: {  	[sflag:s0] =	ssyncadd.remote.s32 $0x1  }
0xc6: {  	_ =	sfence.sel $0xFFFF  }
0xc7: {  	[dreg:$0x0] =	wrdreg $0xFFFFFFFF;
	(pc) =	sbr.abs _section_cstart, $3  }
0xc8: {  	[dreg:$0x1] =	wrdreg $0xFFFFFFFF  }
0xc9: {  	_ =	task.clear_ibuf [dreg:s8], $0x2FFFF;
	_ =	strace $0x9FFFFFFF  }
0xca: {  	(tm) =	ssettm $0x7FFFFFFF  }
0xcb: {  	_ =	shalt  }
tec
execute0_lowered:
.L_overlay_start_1:
0x0: {  	(tag) =	ssettag $0x1  }
0x1: {  	s0 =	rddreg [dreg:$0x0]  }
0x2: {  	s1 =	rddreg [dreg:$0x1]  }
0x3: {  	s2 =	rddreg [dreg:$0x2]  }
0x4: {  	s3 =	rddreg [dreg:$0x3];
	s4 =	simm.s32 $0x0;
	s5 =	srdreg.scid  }
0x5: {  	s17 =	stileid.u32;
	s28 =	simm.s32 $0x80;
	s29 =	simm.s32 $0x50  }
0x6: {  	s30 =	simm.s32 $0x100;
	s6 =	sadd.s32 $0x4EEC00, s0;
	s12 =	smul.u32 $0x14000, s17  }
0x7: {  	s5 =	sand.u32 $0x1, s5;
	s7 =	sadd.s32 $0x4E4E00, s0;
	s8 =	sadd.s32 $0x4F8A00, s0  }
0x8: {  	s31 =	simm.s32 $0x1;
	s9 =	sadd.s32 $0x51FC00, s0;
	s11 =	smul.u32 $0x140000, s5  }
0x9: {  	[smem:$0x7FF] =	sst s4;
	s10 =	sadd.s32 $0x546E00, s0;
	s15 =	smul.u32 $0x50000, s17  }
0xa: {  	s13 =	sadd.s32 $0x13ECE00, s0;
	_ =	strace $0x80000047;
	s12 =	sadd.s32 s12, s11  }
0xb: {  	s20 =	sshrl.u32 s15, $0x2;
	s11 =	sadd.s32 $0xA28E00, s0;
	s14 =	sshrl.u32 s12, $0x3  }
0xc: {  	s12 =	sadd.s32 $0xF0AE00, s0;
	s0 =	sadd.s32 s14, s0;
	s14 =	sadd.s32 s20, s3  }
0xd: {  	s16 =	ssub.s32 $0x2, s5;
	s5 =	sshll.u32 s5, $0x4;
	s22 =	sadd.s32 $0x4000, s14  }
0xe: {  	s21 =	sshrl.u32 s16, $0x1;
	s23 =	sadd.s32 $0x2E00, s0;
	[dreg:$0x5] =	wrdreg s22  }
0xf: {  	s5 =	sor.u32 s17, s5;
	s24 =	sadd.s32 $0x52E00, s0;
	[dreg:$0x6] =	wrdreg s23  }
0x10: {  	s15 =	smul.u32 $0x2710, s5;
	s25 =	sadd.s32 $0xA2E00, s0;
	[dreg:$0x7] =	wrdreg s24  }
0x11: {  	s20 =	ssub.s32 s16, s21;
	s0 =	sadd.s32 $0xF2E00, s0;
	[dreg:$0x8] =	wrdreg s25  }
0x12: {  	s17 =	sadd.s32 $0x8000, s14;
	s26 =	smax.u32 s20, $0x1;
	[dreg:$0x9] =	wrdreg s0  }
0x13: {  	s18 =	sadd.s32 $0xC000, s14;
	s19 =	sadd.s32 $0x10000, s14;
	[dreg:$0xa] =	wrdreg s26  }
0x14: {  	v0 =	vimm.f32 $0.0e+00;
	s25 =	simm.s32 $0x5100;
	s26 =	simm.s32 $0x2;
	s0 =	simm.s32 $0x2900  }
.LBB2_1:
0x15: {  	s5 =	simm.s32 $0x0;
	s20 =	simm.s32 $0x200  }
.LBB2_2:
0x16: {  	p0 =	sne.s32 s20, $0xFE00;
	[tilespmem:s5+$0x5170] =	vst v0  }
0x17: {  	[tilespmem:s5+$0x5100] =	vst v0  }
0x18: {  	[tilespmem:s5+$0x5110] =	vst v0  }
.Ltmp0:
0x19: {  	[tilespmem:s5+$0x5120] =	vst v0;
	(pc) =	sbr.rel @p0 .LBB2_2-.Ltmp0, $4  }
0x1a: {  	[tilespmem:s5+$0x5130] =	vst v0  }
0x1b: {  	[tilespmem:s5+$0x5140] =	vst v0  }
0x1c: {  	[tilespmem:s5+$0x5150] =	vst v0  }
0x1d: {  	[tilespmem:s5+$0x5160] =	vst v0;
	s5 =	sshra.s32 s20, $0x2;
	s20 =	sadd.s32 $0x200, s20  }
0x1e: {  	[tilespmem:s5+$0x5170] =	vst v0  }
0x1f: {  	[tilespmem:s5+$0x5100] =	vst v0  }
0x20: {  	[tilespmem:s5+$0x5110] =	vst v0  }
0x21: {  	[tilespmem:s5+$0x5120] =	vst v0  }
0x22: {  	[tilespmem:s5+$0x5130] =	vst v0  }
0x23: {  	[tilespmem:s5+$0x5140] =	vst v0  }
0x24: {  	[tilespmem:s5+$0x5150] =	vst v0  }
0x25: {  	[tilespmem:s5+$0x5160] =	vst v0  }
0x26: {  	[spmem:s14] =	stream.linear.scatter [tilespmem:s25], [sflag:$0x2], $0x4000, $0x38;
	[tilespmem:$0x1D100] =	vst v63  }
0x27: {  	_ =	swait.ge [sflag:s26], $0x4000  }
0x28: {  	[sflag:s26] =	ssyncset.done $0x0  }
0x29: {  	s24 =	rddreg [dreg:$0x5];
	[sflag:s26] =	ssyncadd.s32 $0xFFFFC000  }
0x2a: {  	[spmem:s24] =	stream.linear.scatter [tilespmem:s25], [sflag:$0x2], $0x4000, $0x38;
	[tilespmem:$0x1D100] =	vst v63  }
0x2b: {  	_ =	swait.ge [sflag:s26], $0x4000  }
0x2c: {  	[sflag:s26] =	ssyncset.done $0x0  }
0x2d: {  	[sflag:s26] =	ssyncadd.s32 $0xFFFFC000  }
0x2e: {  	[spmem:s17] =	stream.linear.scatter [tilespmem:s25], [sflag:$0x2], $0x4000, $0x38;
	[tilespmem:$0x1D100] =	vst v63  }
0x2f: {  	_ =	swait.ge [sflag:s26], $0x4000  }
0x30: {  	[sflag:s26] =	ssyncset.done $0x0  }
0x31: {  	[sflag:s26] =	ssyncadd.s32 $0xFFFFC000  }
0x32: {  	[spmem:s18] =	stream.linear.scatter [tilespmem:s25], [sflag:$0x2], $0x4000, $0x38;
	[tilespmem:$0x1D100] =	vst v63  }
0x33: {  	_ =	swait.ge [sflag:s26], $0x4000  }
0x34: {  	[sflag:s26] =	ssyncset.done $0x0  }
0x35: {  	[sflag:s26] =	ssyncadd.s32 $0xFFFFC000  }
0x36: {  	[spmem:s19] =	stream.linear.scatter [tilespmem:s25], [sflag:$0x2], $0x4000, $0x38;
	[tilespmem:$0x1D100] =	vst v63  }
0x37: {  	_ =	swait.ge [sflag:s26], $0x4000  }
0x38: {  	[sflag:s26] =	ssyncset.done $0x0  }
0x39: {  	[sflag:s26] =	ssyncadd.s32 $0xFFFFC000  }
0x3a: {  	s5 =	simm.s32 $0x0;
	s20 =	simm.s32 $0x0;
	[bflag:$0x0] =	sbarrier.arrive $0xFFFF  }
.LBB2_4:
0x3b: {  	s21 =	smul.u32 $0x50, s20;
	_ =	sdelay $0x1  }
0x3c: {  	s21 =	sadd.s32 s15, s21  }
0x3d: {  	s22 =	sshrl.u32 s21, $0x3  }
0x3e: {  	s23 =	sadd.s32 s6, s22  }
0x3f: {  	[tilespmem:s5], [sflag:$0x2] =	stream.linear.gather [hbm4b:s23+s5], $0x50, $0x38;
	[tilespmem:$0x1D100] =	vst v63  }
0x40: {  	_ =	swait.ge [sflag:s26], $0x50  }
0x41: {  	[sflag:s26] =	ssyncset.done $0x0  }
0x42: {  	s22 =	sadd.s32 s7, s22;
	[sflag:s26] =	ssyncadd.s32 $0xFFFFFFB0  }
0x43: {  	[tilespmem:s28], [sflag:$0x2] =	stream.linear.gather [hbm4b:s22+s5], $0x50, $0x38;
	[tilespmem:$0x1D100] =	vst v63  }
0x44: {  	_ =	swait.ge [sflag:s26], $0x50  }
0x45: {  	[sflag:s26] =	ssyncset.done $0x0  }
0x46: {  	[sflag:s26] =	ssyncadd.s32 $0xFFFFFFB0  }
0x47: {  	[tilespmem:s30], [sflag:$0x1] =	stream.indirect.gather [hbm4b:s1+s29], $0x80, s5, s29, $0xb8;
	[tilespmem:$0x1D100] =	vst v63  }
0x48: {  	_ =	swait.ge [sflag:s31], $0x2800  }
0x49: {  	s21 =	sshll.u32 s21, $0x4;
	[sflag:s31] =	ssyncset.done $0x0  }
0x4a: {  	s21 =	sadd.s32 s10, s21;
	[sflag:s31] =	ssyncadd.s32 $0xFFFFD800  }
0x4b: {  	[tilespmem:s0], [sflag:$0x2] =	stream.linear.gather [hbm4b:s21+s5], $0x2800, $0x38;
	[tilespmem:$0x1D100] =	vst v63  }
0x4c: {  	_ =	swait.ge [sflag:s26], $0x2800  }
0x4d: {  	[sflag:s26] =	ssyncset.done $0x0  }
0x4e: {  	s21 =	simm.s32 $0x0;
	[sflag:s26] =	ssyncadd.s32 $0xFFFFD800  }
0x4f: {  	v7 =	vld [tilespmem:s21+$0x2900]  }
0x50: {  	v12 =	vld [tilespmem:s21+$0x2910]  }
0x51: {  	v6 =	vld [tilespmem:s21+$0x2920]  }
0x52: {  	v5 =	vld [tilespmem:s21+$0x2930]  }
0x53: {  	v4 =	vld [tilespmem:s21+$0x2940]  }
0x54: {  	v3 =	vld [tilespmem:s21+$0x2950]  }
0x55: {  	v2 =	vld [tilespmem:s21+$0x2960]  }
0x56: {  	v1 =	vld [tilespmem:s21+$0x2970]  }
0x57: {  	v13 =	vld [tilespmem:s21+$0x100]  }
0x58: {  	v14 =	vld [tilespmem:s21+$0x110]  }
0x59: {  	v11 =	vld [tilespmem:s21+$0x120]  }
0x5a: {  	v10 =	vld [tilespmem:s21+$0x130]  }
0x5b: {  	v9 =	vld [tilespmem:s21+$0x140]  }
0x5c: {  	v8 =	vld [tilespmem:s21+$0x150];
	v13 =	vadd.f32 v7, v13  }
0x5d: {  	s22 =	simm.s32 $0x200;
	v12 =	vadd.f32 v12, v14;
	v7 =	vld [tilespmem:s21+$0x160]  }
.LBB2_5:
0x5e: {  	s23 =	sshra.s32 s22, $0x2;
	p0 =	sne.s32 s22, $0x9E00;
	v13 =	vmax.f32 v13, $0.0e+00;
	v6 =	vadd.f32 v6, v11;
	v11 =	vld [tilespmem:s21+$0x170]  }
0x5f: {  	v14 =	vld [tilespmem:s23+$0x2900];
	[tilespmem:s21+$0x100] =	vst v13;
	v12 =	vmax.f32 v12, $0.0e+00;
	v5 =	vadd.f32 v5, v10  }
0x60: {  	v15 =	vld [tilespmem:s23+$0x2910];
	[tilespmem:s21+$0x110] =	vst v12;
	v10 =	vmax.f32 v6, $0.0e+00;
	v4 =	vadd.f32 v4, v9  }
0x61: {  	v6 =	vld [tilespmem:s23+$0x2920];
	[tilespmem:s21+$0x120] =	vst v10;
	v9 =	vmax.f32 v5, $0.0e+00;
	v3 =	vadd.f32 v3, v8  }
0x62: {  	v5 =	vld [tilespmem:s23+$0x2930];
	[tilespmem:s21+$0x130] =	vst v9;
	v8 =	vmax.f32 v4, $0.0e+00;
	v2 =	vadd.f32 v2, v7  }
0x63: {  	v4 =	vld [tilespmem:s23+$0x2940];
	[tilespmem:s21+$0x140] =	vst v8;
	v7 =	vmax.f32 v3, $0.0e+00;
	v1 =	vadd.f32 v1, v11  }
0x64: {  	v3 =	vld [tilespmem:s23+$0x2950];
	[tilespmem:s21+$0x150] =	vst v7;
	v7 =	vmax.f32 v2, $0.0e+00  }
0x65: {  	v2 =	vld [tilespmem:s23+$0x2960];
	[tilespmem:s21+$0x160] =	vst v7;
	v7 =	vmax.f32 v1, $0.0e+00  }
0x66: {  	v1 =	vld [tilespmem:s23+$0x2970];
	[tilespmem:s21+$0x170] =	vst v7;
	s21 =	smov.u32 s23  }
0x67: {  	v7 =	vld [tilespmem:s21+$0x100]  }
0x68: {  	v12 =	vld [tilespmem:s21+$0x110]  }
.Ltmp1:
0x69: {  	v11 =	vld [tilespmem:s21+$0x120];
	(pc) =	sbr.rel @p0 .LBB2_5-.Ltmp1, $4  }
0x6a: {  	v10 =	vld [tilespmem:s21+$0x130]  }
0x6b: {  	v9 =	vld [tilespmem:s21+$0x140]  }
0x6c: {  	v13 =	vadd.f32 v14, v7;
	v8 =	vld [tilespmem:s21+$0x150]  }
0x6d: {  	s22 =	sadd.s32 $0x200, s22;
	v12 =	vadd.f32 v15, v12;
	v7 =	vld [tilespmem:s21+$0x160]  }
0x6e: {  	v13 =	vmax.f32 v13, $0.0e+00;
	v6 =	vadd.f32 v6, v11;
	v63 =	vld [tilespmem:s21+$0x170]  }
0x6f: {  	[tilespmem:s21+$0x100] =	vst v13;
	v12 =	vmax.f32 v12, $0.0e+00;
	v5 =	vadd.f32 v5, v10  }
0x70: {  	[tilespmem:s21+$0x110] =	vst v12;
	v6 =	vmax.f32 v6, $0.0e+00;
	v4 =	vadd.f32 v4, v9  }
0x71: {  	[tilespmem:s21+$0x120] =	vst v6;
	v5 =	vmax.f32 v5, $0.0e+00;
	v3 =	vadd.f32 v3, v8  }
0x72: {  	[tilespmem:s21+$0x130] =	vst v5;
	v4 =	vmax.f32 v4, $0.0e+00;
	v2 =	vadd.f32 v2, v7  }
0x73: {  	[tilespmem:s21+$0x140] =	vst v4;
	v3 =	vmax.f32 v3, $0.0e+00;
	v1 =	vadd.f32 v1, v63  }
0x74: {  	s20 =	sadd.s32 $0x1, s20;
	[tilespmem:s21+$0x150] =	vst v3;
	v2 =	vmax.f32 v2, $0.0e+00  }
0x75: {  	p0 =	sne.s32 s20, $0x7D;
	[tilespmem:s21+$0x160] =	vst v2;
	v1 =	vmax.f32 v1, $0.0e+00  }
.Ltmp2:
0x76: {  	[tilespmem:s21+$0x170] =	vst v1;
	(pc) =	sbr.rel @p0 .LBB2_4-.Ltmp2, $4  }
0x77: {  	[spmem:s3] =	stream.indirect.scatter.add.f32 [tilespmem:s30], [sflag:$0x2], $0x80, s28, s29, $0xb8;
	[tilespmem:$0x1D100] =	vst v63  }
0x78: {  	_ =	swait.ge [sflag:s26], $0x2800  }
0x79: {  	[sflag:s26] =	ssyncset.done $0x0  }
0x7a: {  	[sflag:s26] =	ssyncadd.s32 $0xFFFFD800  }
0x7b: {  	s5 =	stileid.u32  }
0x7c: {  	[bflag:$0x0] =	sbarrier.arrive $0xFFFF;
	s5 =	sshll.u32 s5, $0x6  }
0x7d: {  	s20 =	sshrl.u32 s14, $0x3;
	s16 =	rddreg [dreg:$0x6];
	s5 =	sor.u32 $0x1C02, s5  }
0x7e: {  	[hbm:s16], [sflag:s5] =	dma.local [spmem:s20], $0x2800  }
0x7f: {  	_ =	swait.ge [sflag:s26], $0x2800  }
0x80: {  	[sflag:s26] =	ssyncset.done $0x0  }
0x81: {  	[sflag:s26] =	ssyncadd.s32 $0xFFFFD800  }
0x82: {  	[bflag:$0x0] =	sbarrier.arrive $0xFFFF  }
0x83: {  	[spmem:s14] =	stream.linear.scatter [tilespmem:s25], [sflag:$0x2], $0x4000, $0x38;
	[tilespmem:$0x1D100] =	vst v63  }
0x84: {  	_ =	swait.ge [sflag:s26], $0x4000  }
0x85: {  	[sflag:s26] =	ssyncset.done $0x0  }
0x86: {  	s24 =	rddreg [dreg:$0x5];
	[sflag:s26] =	ssyncadd.s32 $0xFFFFC000  }
0x87: {  	[spmem:s24] =	stream.linear.scatter [tilespmem:s25], [sflag:$0x2], $0x4000, $0x38;
	[tilespmem:$0x1D100] =	vst v63  }
0x88: {  	_ =	swait.ge [sflag:s26], $0x4000  }
0x89: {  	[sflag:s26] =	ssyncset.done $0x0  }
0x8a: {  	[sflag:s26] =	ssyncadd.s32 $0xFFFFC000  }
0x8b: {  	[spmem:s17] =	stream.linear.scatter [tilespmem:s25], [sflag:$0x2], $0x4000, $0x38;
	[tilespmem:$0x1D100] =	vst v63  }
0x8c: {  	_ =	swait.ge [sflag:s26], $0x4000  }
0x8d: {  	[sflag:s26] =	ssyncset.done $0x0  }
0x8e: {  	[sflag:s26] =	ssyncadd.s32 $0xFFFFC000  }
0x8f: {  	[spmem:s18] =	stream.linear.scatter [tilespmem:s25], [sflag:$0x2], $0x4000, $0x38;
	[tilespmem:$0x1D100] =	vst v63  }
0x90: {  	_ =	swait.ge [sflag:s26], $0x4000  }
0x91: {  	[sflag:s26] =	ssyncset.done $0x0  }
0x92: {  	[sflag:s26] =	ssyncadd.s32 $0xFFFFC000  }
0x93: {  	[spmem:s19] =	stream.linear.scatter [tilespmem:s25], [sflag:$0x2], $0x4000, $0x38;
	[tilespmem:$0x1D100] =	vst v63  }
0x94: {  	_ =	swait.ge [sflag:s26], $0x4000  }
0x95: {  	[sflag:s26] =	ssyncset.done $0x0  }
0x96: {  	[sflag:s26] =	ssyncadd.s32 $0xFFFFC000  }
0x97: {  	s21 =	simm.s32 $0x0;
	s22 =	simm.s32 $0x0;
	[bflag:$0x0] =	sbarrier.arrive $0xFFFF  }
.LBB2_8:
0x98: {  	s23 =	smul.u32 $0x50, s22;
	_ =	sdelay $0x1  }
0x99: {  	s23 =	sadd.s32 s15, s23  }
0x9a: {  	s24 =	sshrl.u32 s23, $0x3  }
0x9b: {  	s16 =	sadd.s32 s6, s24  }
0x9c: {  	[tilespmem:s21], [sflag:$0x2] =	stream.linear.gather [hbm4b:s16+s21], $0x50, $0x38;
	[tilespmem:$0x1D100] =	vst v63  }
0x9d: {  	_ =	swait.ge [sflag:s26], $0x50  }
0x9e: {  	[sflag:s26] =	ssyncset.done $0x0  }
0x9f: {  	s24 =	sadd.s32 s7, s24;
	[sflag:s26] =	ssyncadd.s32 $0xFFFFFFB0  }
0xa0: {  	[tilespmem:s28], [sflag:$0x2] =	stream.linear.gather [hbm4b:s24+s21], $0x50, $0x38;
	[tilespmem:$0x1D100] =	vst v63  }
0xa1: {  	_ =	swait.ge [sflag:s26], $0x50  }
0xa2: {  	[sflag:s26] =	ssyncset.done $0x0  }
0xa3: {  	[sflag:s26] =	ssyncadd.s32 $0xFFFFFFB0  }
0xa4: {  	[tilespmem:s30], [sflag:$0x1] =	stream.indirect.gather [hbm4b:s2+s29], $0x80, s21, s29, $0xb8;
	[tilespmem:$0x1D100] =	vst v63  }
0xa5: {  	_ =	swait.ge [sflag:s31], $0x2800  }
0xa6: {  	s24 =	sshll.u32 s23, $0x4;
	[sflag:s31] =	ssyncset.done $0x0  }
0xa7: {  	s16 =	sadd.s32 s11, s24;
	[sflag:s31] =	ssyncadd.s32 $0xFFFFD800  }
0xa8: {  	[tilespmem:s0], [sflag:$0x2] =	stream.linear.gather [hbm4b:s16+s21], $0x2800, $0x38;
	[tilespmem:$0x1D100] =	vst v63  }
0xa9: {  	_ =	swait.ge [sflag:s26], $0x2800  }
0xaa: {  	[sflag:s26] =	ssyncset.done $0x0  }
0xab: {  	s23 =	simm.s32 $0x0;
	[sflag:s26] =	ssyncadd.s32 $0xFFFFD800  }
0xac: {  	v7 =	vld [tilespmem:s23+$0x2900]  }
0xad: {  	v12 =	vld [tilespmem:s23+$0x2910]  }
0xae: {  	v6 =	vld [tilespmem:s23+$0x2920]  }
0xaf: {  	v5 =	vld [tilespmem:s23+$0x2930]  }
0xb0: {  	v4 =	vld [tilespmem:s23+$0x2940]  }
0xb1: {  	v3 =	vld [tilespmem:s23+$0x2950]  }
0xb2: {  	v2 =	vld [tilespmem:s23+$0x2960]  }
0xb3: {  	v1 =	vld [tilespmem:s23+$0x2970]  }
0xb4: {  	v13 =	vld [tilespmem:s23+$0x100]  }
0xb5: {  	v14 =	vld [tilespmem:s23+$0x110]  }
0xb6: {  	v11 =	vld [tilespmem:s23+$0x120]  }
0xb7: {  	v10 =	vld [tilespmem:s23+$0x130]  }
0xb8: {  	v9 =	vld [tilespmem:s23+$0x140]  }
0xb9: {  	v8 =	vld [tilespmem:s23+$0x150];
	v13 =	vadd.f32 v7, v13  }
0xba: {  	s24 =	simm.s32 $0x200;
	v12 =	vadd.f32 v12, v14;
	v7 =	vld [tilespmem:s23+$0x160]  }
.LBB2_9:
0xbb: {  	s16 =	sshra.s32 s24, $0x2;
	p0 =	sne.s32 s24, $0x9E00;
	v13 =	vmax.f32 v13, $0.0e+00;
	v6 =	vadd.f32 v6, v11;
	v11 =	vld [tilespmem:s23+$0x170]  }
0xbc: {  	v14 =	vld [tilespmem:s16+$0x2900];
	[tilespmem:s23+$0x100] =	vst v13;
	v12 =	vmax.f32 v12, $0.0e+00;
	v5 =	vadd.f32 v5, v10  }
0xbd: {  	v15 =	vld [tilespmem:s16+$0x2910];
	[tilespmem:s23+$0x110] =	vst v12;
	v10 =	vmax.f32 v6, $0.0e+00;
	v4 =	vadd.f32 v4, v9  }
0xbe: {  	v6 =	vld [tilespmem:s16+$0x2920];
	[tilespmem:s23+$0x120] =	vst v10;
	v9 =	vmax.f32 v5, $0.0e+00;
	v3 =	vadd.f32 v3, v8  }
0xbf: {  	v5 =	vld [tilespmem:s16+$0x2930];
	[tilespmem:s23+$0x130] =	vst v9;
	v8 =	vmax.f32 v4, $0.0e+00;
	v2 =	vadd.f32 v2, v7  }
0xc0: {  	v4 =	vld [tilespmem:s16+$0x2940];
	[tilespmem:s23+$0x140] =	vst v8;
	v7 =	vmax.f32 v3, $0.0e+00;
	v1 =	vadd.f32 v1, v11  }
0xc1: {  	v3 =	vld [tilespmem:s16+$0x2950];
	[tilespmem:s23+$0x150] =	vst v7;
	v7 =	vmax.f32 v2, $0.0e+00  }
0xc2: {  	v2 =	vld [tilespmem:s16+$0x2960];
	[tilespmem:s23+$0x160] =	vst v7;
	v7 =	vmax.f32 v1, $0.0e+00  }
0xc3: {  	v1 =	vld [tilespmem:s16+$0x2970];
	[tilespmem:s23+$0x170] =	vst v7;
	s23 =	smov.u32 s16  }
0xc4: {  	v7 =	vld [tilespmem:s23+$0x100]  }
0xc5: {  	v12 =	vld [tilespmem:s23+$0x110]  }
.Ltmp3:
0xc6: {  	v11 =	vld [tilespmem:s23+$0x120];
	(pc) =	sbr.rel @p0 .LBB2_9-.Ltmp3, $4  }
0xc7: {  	v10 =	vld [tilespmem:s23+$0x130]  }
0xc8: {  	v9 =	vld [tilespmem:s23+$0x140]  }
0xc9: {  	v13 =	vadd.f32 v14, v7;
	v8 =	vld [tilespmem:s23+$0x150]  }
0xca: {  	s24 =	sadd.s32 $0x200, s24;
	v12 =	vadd.f32 v15, v12;
	v7 =	vld [tilespmem:s23+$0x160]  }
0xcb: {  	v13 =	vmax.f32 v13, $0.0e+00;
	v6 =	vadd.f32 v6, v11;
	v63 =	vld [tilespmem:s23+$0x170]  }
0xcc: {  	[tilespmem:s23+$0x100] =	vst v13;
	v12 =	vmax.f32 v12, $0.0e+00;
	v5 =	vadd.f32 v5, v10  }
0xcd: {  	[tilespmem:s23+$0x110] =	vst v12;
	v6 =	vmax.f32 v6, $0.0e+00;
	v4 =	vadd.f32 v4, v9  }
0xce: {  	[tilespmem:s23+$0x120] =	vst v6;
	v5 =	vmax.f32 v5, $0.0e+00;
	v3 =	vadd.f32 v3, v8  }
0xcf: {  	[tilespmem:s23+$0x130] =	vst v5;
	v4 =	vmax.f32 v4, $0.0e+00;
	v2 =	vadd.f32 v2, v7  }
0xd0: {  	[tilespmem:s23+$0x140] =	vst v4;
	v3 =	vmax.f32 v3, $0.0e+00;
	v1 =	vadd.f32 v1, v63  }
0xd1: {  	s22 =	sadd.s32 $0x1, s22;
	[tilespmem:s23+$0x150] =	vst v3;
	v2 =	vmax.f32 v2, $0.0e+00  }
0xd2: {  	p0 =	sne.s32 s22, $0x7D;
	[tilespmem:s23+$0x160] =	vst v2;
	v1 =	vmax.f32 v1, $0.0e+00  }
.Ltmp4:
0xd3: {  	[tilespmem:s23+$0x170] =	vst v1;
	(pc) =	sbr.rel @p0 .LBB2_8-.Ltmp4, $4  }
0xd4: {  	[spmem:s3] =	stream.indirect.scatter.add.f32 [tilespmem:s30], [sflag:$0x2], $0x80, s28, s29, $0xb8;
	[tilespmem:$0x1D100] =	vst v63  }
0xd5: {  	_ =	swait.ge [sflag:s26], $0x2800  }
0xd6: {  	[sflag:s26] =	ssyncset.done $0x0  }
0xd7: {  	[sflag:s26] =	ssyncadd.s32 $0xFFFFD800  }
0xd8: {  	[bflag:$0x0] =	sbarrier.arrive $0xFFFF  }
0xd9: {  	s16 =	rddreg [dreg:$0x7]  }
0xda: {  	[hbm:s16], [sflag:s5] =	dma.local [spmem:s20], $0x2800  }
0xdb: {  	_ =	swait.ge [sflag:s26], $0x2800  }
0xdc: {  	[sflag:s26] =	ssyncset.done $0x0  }
0xdd: {  	[sflag:s26] =	ssyncadd.s32 $0xFFFFD800  }
0xde: {  	[bflag:$0x0] =	sbarrier.arrive $0xFFFF  }
0xdf: {  	[spmem:s14] =	stream.linear.scatter [tilespmem:s25], [sflag:$0x2], $0x4000, $0x38;
	[tilespmem:$0x1D100] =	vst v63  }
0xe0: {  	_ =	swait.ge [sflag:s26], $0x4000  }
0xe1: {  	[sflag:s26] =	ssyncset.done $0x0  }
0xe2: {  	s24 =	rddreg [dreg:$0x5];
	[sflag:s26] =	ssyncadd.s32 $0xFFFFC000  }
0xe3: {  	[spmem:s24] =	stream.linear.scatter [tilespmem:s25], [sflag:$0x2], $0x4000, $0x38;
	[tilespmem:$0x1D100] =	vst v63  }
0xe4: {  	_ =	swait.ge [sflag:s26], $0x4000  }
0xe5: {  	[sflag:s26] =	ssyncset.done $0x0  }
0xe6: {  	[sflag:s26] =	ssyncadd.s32 $0xFFFFC000  }
0xe7: {  	[spmem:s17] =	stream.linear.scatter [tilespmem:s25], [sflag:$0x2], $0x4000, $0x38;
	[tilespmem:$0x1D100] =	vst v63  }
0xe8: {  	_ =	swait.ge [sflag:s26], $0x4000  }
0xe9: {  	[sflag:s26] =	ssyncset.done $0x0  }
0xea: {  	[sflag:s26] =	ssyncadd.s32 $0xFFFFC000  }
0xeb: {  	[spmem:s18] =	stream.linear.scatter [tilespmem:s25], [sflag:$0x2], $0x4000, $0x38;
	[tilespmem:$0x1D100] =	vst v63  }
0xec: {  	_ =	swait.ge [sflag:s26], $0x4000  }
0xed: {  	[sflag:s26] =	ssyncset.done $0x0  }
0xee: {  	[sflag:s26] =	ssyncadd.s32 $0xFFFFC000  }
0xef: {  	[spmem:s19] =	stream.linear.scatter [tilespmem:s25], [sflag:$0x2], $0x4000, $0x38;
	[tilespmem:$0x1D100] =	vst v63  }
0xf0: {  	_ =	swait.ge [sflag:s26], $0x4000  }
0xf1: {  	[sflag:s26] =	ssyncset.done $0x0  }
0xf2: {  	[sflag:s26] =	ssyncadd.s32 $0xFFFFC000  }
0xf3: {  	s21 =	simm.s32 $0x0;
	s22 =	simm.s32 $0x0;
	[bflag:$0x0] =	sbarrier.arrive $0xFFFF  }
.LBB2_12:
0xf4: {  	s16 =	smul.u32 $0x50, s22;
	_ =	sdelay $0x1  }
0xf5: {  	s16 =	sadd.s32 s15, s16  }
0xf6: {  	s23 =	sshrl.u32 s16, $0x3  }
0xf7: {  	s24 =	sadd.s32 s6, s23  }
0xf8: {  	[tilespmem:s21], [sflag:$0x2] =	stream.linear.gather [hbm4b:s24+s21], $0x50, $0x38;
	[tilespmem:$0x1D100] =	vst v63  }
0xf9: {  	_ =	swait.ge [sflag:s26], $0x50  }
0xfa: {  	[sflag:s26] =	ssyncset.done $0x0  }
0xfb: {  	s23 =	sadd.s32 s7, s23;
	[sflag:s26] =	ssyncadd.s32 $0xFFFFFFB0  }
0xfc: {  	[tilespmem:s28], [sflag:$0x2] =	stream.linear.gather [hbm4b:s23+s21], $0x50, $0x38;
	[tilespmem:$0x1D100] =	vst v63  }
0xfd: {  	_ =	swait.ge [sflag:s26], $0x50  }
0xfe: {  	[sflag:s26] =	ssyncset.done $0x0  }
0xff: {  	[sflag:s26] =	ssyncadd.s32 $0xFFFFFFB0  }
0x100: {  	[tilespmem:s30], [sflag:$0x1] =	stream.indirect.gather [hbm4b:s8+s29], $0x80, s21, s29, $0xb8;
	[tilespmem:$0x1D100] =	vst v63  }
0x101: {  	_ =	swait.ge [sflag:s31], $0x2800  }
0x102: {  	s16 =	sshll.u32 s16, $0x4;
	[sflag:s31] =	ssyncset.done $0x0  }
0x103: {  	s16 =	sadd.s32 s12, s16;
	[sflag:s31] =	ssyncadd.s32 $0xFFFFD800  }
0x104: {  	[tilespmem:s0], [sflag:$0x2] =	stream.linear.gather [hbm4b:s16+s21], $0x2800, $0x38;
	[tilespmem:$0x1D100] =	vst v63  }
0x105: {  	_ =	swait.ge [sflag:s26], $0x2800  }
0x106: {  	[sflag:s26] =	ssyncset.done $0x0  }
0x107: {  	s23 =	simm.s32 $0x0;
	[sflag:s26] =	ssyncadd.s32 $0xFFFFD800  }
0x108: {  	v7 =	vld [tilespmem:s23+$0x2900]  }
0x109: {  	v12 =	vld [tilespmem:s23+$0x2910]  }
0x10a: {  	v6 =	vld [tilespmem:s23+$0x2920]  }
0x10b: {  	v5 =	vld [tilespmem:s23+$0x2930]  }
0x10c: {  	v4 =	vld [tilespmem:s23+$0x2940]  }
0x10d: {  	v3 =	vld [tilespmem:s23+$0x2950]  }
0x10e: {  	v2 =	vld [tilespmem:s23+$0x2960]  }
0x10f: {  	v1 =	vld [tilespmem:s23+$0x2970]  }
0x110: {  	v13 =	vld [tilespmem:s23+$0x100]  }
0x111: {  	v14 =	vld [tilespmem:s23+$0x110]  }
0x112: {  	v11 =	vld [tilespmem:s23+$0x120]  }
0x113: {  	v10 =	vld [tilespmem:s23+$0x130]  }
0x114: {  	v9 =	vld [tilespmem:s23+$0x140]  }
0x115: {  	v8 =	vld [tilespmem:s23+$0x150];
	v13 =	vadd.f32 v7, v13  }
0x116: {  	s24 =	simm.s32 $0x200;
	v12 =	vadd.f32 v12, v14;
	v7 =	vld [tilespmem:s23+$0x160]  }
.LBB2_13:
0x117: {  	s16 =	sshra.s32 s24, $0x2;
	p0 =	sne.s32 s24, $0x9E00;
	v13 =	vmax.f32 v13, $0.0e+00;
	v6 =	vadd.f32 v6, v11;
	v11 =	vld [tilespmem:s23+$0x170]  }
0x118: {  	v14 =	vld [tilespmem:s16+$0x2900];
	[tilespmem:s23+$0x100] =	vst v13;
	v12 =	vmax.f32 v12, $0.0e+00;
	v5 =	vadd.f32 v5, v10  }
0x119: {  	v15 =	vld [tilespmem:s16+$0x2910];
	[tilespmem:s23+$0x110] =	vst v12;
	v10 =	vmax.f32 v6, $0.0e+00;
	v4 =	vadd.f32 v4, v9  }
0x11a: {  	v6 =	vld [tilespmem:s16+$0x2920];
	[tilespmem:s23+$0x120] =	vst v10;
	v9 =	vmax.f32 v5, $0.0e+00;
	v3 =	vadd.f32 v3, v8  }
0x11b: {  	v5 =	vld [tilespmem:s16+$0x2930];
	[tilespmem:s23+$0x130] =	vst v9;
	v8 =	vmax.f32 v4, $0.0e+00;
	v2 =	vadd.f32 v2, v7  }
0x11c: {  	v4 =	vld [tilespmem:s16+$0x2940];
	[tilespmem:s23+$0x140] =	vst v8;
	v7 =	vmax.f32 v3, $0.0e+00;
	v1 =	vadd.f32 v1, v11  }
0x11d: {  	v3 =	vld [tilespmem:s16+$0x2950];
	[tilespmem:s23+$0x150] =	vst v7;
	v7 =	vmax.f32 v2, $0.0e+00  }
0x11e: {  	v2 =	vld [tilespmem:s16+$0x2960];
	[tilespmem:s23+$0x160] =	vst v7;
	v7 =	vmax.f32 v1, $0.0e+00  }
0x11f: {  	v1 =	vld [tilespmem:s16+$0x2970];
	[tilespmem:s23+$0x170] =	vst v7;
	s23 =	smov.u32 s16  }
0x120: {  	v7 =	vld [tilespmem:s23+$0x100]  }
0x121: {  	v12 =	vld [tilespmem:s23+$0x110]  }
.Ltmp5:
0x122: {  	v11 =	vld [tilespmem:s23+$0x120];
	(pc) =	sbr.rel @p0 .LBB2_13-.Ltmp5, $4  }
0x123: {  	v10 =	vld [tilespmem:s23+$0x130]  }
0x124: {  	v9 =	vld [tilespmem:s23+$0x140]  }
0x125: {  	v13 =	vadd.f32 v14, v7;
	v8 =	vld [tilespmem:s23+$0x150]  }
0x126: {  	s24 =	sadd.s32 $0x200, s24;
	v12 =	vadd.f32 v15, v12;
	v7 =	vld [tilespmem:s23+$0x160]  }
0x127: {  	v13 =	vmax.f32 v13, $0.0e+00;
	v6 =	vadd.f32 v6, v11;
	v63 =	vld [tilespmem:s23+$0x170]  }
0x128: {  	[tilespmem:s23+$0x100] =	vst v13;
	v12 =	vmax.f32 v12, $0.0e+00;
	v5 =	vadd.f32 v5, v10  }
0x129: {  	[tilespmem:s23+$0x110] =	vst v12;
	v6 =	vmax.f32 v6, $0.0e+00;
	v4 =	vadd.f32 v4, v9  }
0x12a: {  	[tilespmem:s23+$0x120] =	vst v6;
	v5 =	vmax.f32 v5, $0.0e+00;
	v3 =	vadd.f32 v3, v8  }
0x12b: {  	[tilespmem:s23+$0x130] =	vst v5;
	v4 =	vmax.f32 v4, $0.0e+00;
	v2 =	vadd.f32 v2, v7  }
0x12c: {  	[tilespmem:s23+$0x140] =	vst v4;
	v3 =	vmax.f32 v3, $0.0e+00;
	v1 =	vadd.f32 v1, v63  }
0x12d: {  	s22 =	sadd.s32 $0x1, s22;
	[tilespmem:s23+$0x150] =	vst v3;
	v2 =	vmax.f32 v2, $0.0e+00  }
0x12e: {  	p0 =	sne.s32 s22, $0x7D;
	[tilespmem:s23+$0x160] =	vst v2;
	v1 =	vmax.f32 v1, $0.0e+00  }
.Ltmp6:
0x12f: {  	[tilespmem:s23+$0x170] =	vst v1;
	(pc) =	sbr.rel @p0 .LBB2_12-.Ltmp6, $4  }
0x130: {  	[spmem:s3] =	stream.indirect.scatter.add.f32 [tilespmem:s30], [sflag:$0x2], $0x80, s28, s29, $0xb8;
	[tilespmem:$0x1D100] =	vst v63  }
0x131: {  	_ =	swait.ge [sflag:s26], $0x2800  }
0x132: {  	[sflag:s26] =	ssyncset.done $0x0  }
0x133: {  	[sflag:s26] =	ssyncadd.s32 $0xFFFFD800  }
0x134: {  	[bflag:$0x0] =	sbarrier.arrive $0xFFFF  }
0x135: {  	s16 =	rddreg [dreg:$0x8]  }
0x136: {  	[hbm:s16], [sflag:s5] =	dma.local [spmem:s20], $0x2800  }
0x137: {  	_ =	swait.ge [sflag:s26], $0x2800  }
0x138: {  	[sflag:s26] =	ssyncset.done $0x0  }
0x139: {  	[sflag:s26] =	ssyncadd.s32 $0xFFFFD800  }
0x13a: {  	[bflag:$0x0] =	sbarrier.arrive $0xFFFF  }
0x13b: {  	[spmem:s14] =	stream.linear.scatter [tilespmem:s25], [sflag:$0x2], $0x4000, $0x38;
	[tilespmem:$0x1D100] =	vst v63  }
0x13c: {  	_ =	swait.ge [sflag:s26], $0x4000  }
0x13d: {  	[sflag:s26] =	ssyncset.done $0x0  }
0x13e: {  	s24 =	rddreg [dreg:$0x5];
	[sflag:s26] =	ssyncadd.s32 $0xFFFFC000  }
0x13f: {  	[spmem:s24] =	stream.linear.scatter [tilespmem:s25], [sflag:$0x2], $0x4000, $0x38;
	[tilespmem:$0x1D100] =	vst v63  }
0x140: {  	_ =	swait.ge [sflag:s26], $0x4000  }
0x141: {  	[sflag:s26] =	ssyncset.done $0x0  }
0x142: {  	[sflag:s26] =	ssyncadd.s32 $0xFFFFC000  }
0x143: {  	[spmem:s17] =	stream.linear.scatter [tilespmem:s25], [sflag:$0x2], $0x4000, $0x38;
	[tilespmem:$0x1D100] =	vst v63  }
0x144: {  	_ =	swait.ge [sflag:s26], $0x4000  }
0x145: {  	[sflag:s26] =	ssyncset.done $0x0  }
0x146: {  	[sflag:s26] =	ssyncadd.s32 $0xFFFFC000  }
0x147: {  	[spmem:s18] =	stream.linear.scatter [tilespmem:s25], [sflag:$0x2], $0x4000, $0x38;
	[tilespmem:$0x1D100] =	vst v63  }
0x148: {  	_ =	swait.ge [sflag:s26], $0x4000  }
0x149: {  	[sflag:s26] =	ssyncset.done $0x0  }
0x14a: {  	[sflag:s26] =	ssyncadd.s32 $0xFFFFC000  }
0x14b: {  	[spmem:s19] =	stream.linear.scatter [tilespmem:s25], [sflag:$0x2], $0x4000, $0x38;
	[tilespmem:$0x1D100] =	vst v63  }
0x14c: {  	_ =	swait.ge [sflag:s26], $0x4000  }
0x14d: {  	[sflag:s26] =	ssyncset.done $0x0  }
0x14e: {  	[sflag:s26] =	ssyncadd.s32 $0xFFFFC000  }
0x14f: {  	s21 =	simm.s32 $0x0;
	s22 =	simm.s32 $0x0;
	[bflag:$0x0] =	sbarrier.arrive $0xFFFF  }
.LBB2_16:
0x150: {  	s16 =	smul.u32 $0x50, s22;
	_ =	sdelay $0x1  }
0x151: {  	s16 =	sadd.s32 s15, s16  }
0x152: {  	s23 =	sshrl.u32 s16, $0x3  }
0x153: {  	s24 =	sadd.s32 s6, s23  }
0x154: {  	[tilespmem:s21], [sflag:$0x2] =	stream.linear.gather [hbm4b:s24+s21], $0x50, $0x38;
	[tilespmem:$0x1D100] =	vst v63  }
0x155: {  	_ =	swait.ge [sflag:s26], $0x50  }
0x156: {  	[sflag:s26] =	ssyncset.done $0x0  }
0x157: {  	s23 =	sadd.s32 s7, s23;
	[sflag:s26] =	ssyncadd.s32 $0xFFFFFFB0  }
0x158: {  	[tilespmem:s28], [sflag:$0x2] =	stream.linear.gather [hbm4b:s23+s21], $0x50, $0x38;
	[tilespmem:$0x1D100] =	vst v63  }
0x159: {  	_ =	swait.ge [sflag:s26], $0x50  }
0x15a: {  	[sflag:s26] =	ssyncset.done $0x0  }
0x15b: {  	[sflag:s26] =	ssyncadd.s32 $0xFFFFFFB0  }
0x15c: {  	[tilespmem:s30], [sflag:$0x1] =	stream.indirect.gather [hbm4b:s9+s29], $0x80, s21, s29, $0xb8;
	[tilespmem:$0x1D100] =	vst v63  }
0x15d: {  	_ =	swait.ge [sflag:s31], $0x2800  }
0x15e: {  	s16 =	sshll.u32 s16, $0x4;
	[sflag:s31] =	ssyncset.done $0x0  }
0x15f: {  	s16 =	sadd.s32 s13, s16;
	[sflag:s31] =	ssyncadd.s32 $0xFFFFD800  }
0x160: {  	[tilespmem:s0], [sflag:$0x2] =	stream.linear.gather [hbm4b:s16+s21], $0x2800, $0x38;
	[tilespmem:$0x1D100] =	vst v63  }
0x161: {  	_ =	swait.ge [sflag:s26], $0x2800  }
0x162: {  	[sflag:s26] =	ssyncset.done $0x0  }
0x163: {  	s23 =	simm.s32 $0x0;
	[sflag:s26] =	ssyncadd.s32 $0xFFFFD800  }
0x164: {  	v7 =	vld [tilespmem:s23+$0x2900]  }
0x165: {  	v12 =	vld [tilespmem:s23+$0x2910]  }
0x166: {  	v6 =	vld [tilespmem:s23+$0x2920]  }
0x167: {  	v5 =	vld [tilespmem:s23+$0x2930]  }
0x168: {  	v4 =	vld [tilespmem:s23+$0x2940]  }
0x169: {  	v3 =	vld [tilespmem:s23+$0x2950]  }
0x16a: {  	v2 =	vld [tilespmem:s23+$0x2960]  }
0x16b: {  	v1 =	vld [tilespmem:s23+$0x2970]  }
0x16c: {  	v13 =	vld [tilespmem:s23+$0x100]  }
0x16d: {  	v14 =	vld [tilespmem:s23+$0x110]  }
0x16e: {  	v11 =	vld [tilespmem:s23+$0x120]  }
0x16f: {  	v10 =	vld [tilespmem:s23+$0x130]  }
0x170: {  	v9 =	vld [tilespmem:s23+$0x140]  }
0x171: {  	v8 =	vld [tilespmem:s23+$0x150];
	v13 =	vadd.f32 v7, v13  }
0x172: {  	s24 =	simm.s32 $0x200;
	v12 =	vadd.f32 v12, v14;
	v7 =	vld [tilespmem:s23+$0x160]  }
.LBB2_17:
0x173: {  	s16 =	sshra.s32 s24, $0x2;
	p0 =	sne.s32 s24, $0x9E00;
	v13 =	vmax.f32 v13, $0.0e+00;
	v6 =	vadd.f32 v6, v11;
	v11 =	vld [tilespmem:s23+$0x170]  }
0x174: {  	v14 =	vld [tilespmem:s16+$0x2900];
	[tilespmem:s23+$0x100] =	vst v13;
	v12 =	vmax.f32 v12, $0.0e+00;
	v5 =	vadd.f32 v5, v10  }
0x175: {  	v15 =	vld [tilespmem:s16+$0x2910];
	[tilespmem:s23+$0x110] =	vst v12;
	v10 =	vmax.f32 v6, $0.0e+00;
	v4 =	vadd.f32 v4, v9  }
0x176: {  	v6 =	vld [tilespmem:s16+$0x2920];
	[tilespmem:s23+$0x120] =	vst v10;
	v9 =	vmax.f32 v5, $0.0e+00;
	v3 =	vadd.f32 v3, v8  }
0x177: {  	v5 =	vld [tilespmem:s16+$0x2930];
	[tilespmem:s23+$0x130] =	vst v9;
	v8 =	vmax.f32 v4, $0.0e+00;
	v2 =	vadd.f32 v2, v7  }
0x178: {  	v4 =	vld [tilespmem:s16+$0x2940];
	[tilespmem:s23+$0x140] =	vst v8;
	v7 =	vmax.f32 v3, $0.0e+00;
	v1 =	vadd.f32 v1, v11  }
0x179: {  	v3 =	vld [tilespmem:s16+$0x2950];
	[tilespmem:s23+$0x150] =	vst v7;
	v7 =	vmax.f32 v2, $0.0e+00  }
0x17a: {  	v2 =	vld [tilespmem:s16+$0x2960];
	[tilespmem:s23+$0x160] =	vst v7;
	v7 =	vmax.f32 v1, $0.0e+00  }
0x17b: {  	v1 =	vld [tilespmem:s16+$0x2970];
	[tilespmem:s23+$0x170] =	vst v7;
	s23 =	smov.u32 s16  }
0x17c: {  	v7 =	vld [tilespmem:s23+$0x100]  }
0x17d: {  	v12 =	vld [tilespmem:s23+$0x110]  }
.Ltmp7:
0x17e: {  	v11 =	vld [tilespmem:s23+$0x120];
	(pc) =	sbr.rel @p0 .LBB2_17-.Ltmp7, $4  }
0x17f: {  	v10 =	vld [tilespmem:s23+$0x130]  }
0x180: {  	v9 =	vld [tilespmem:s23+$0x140]  }
0x181: {  	v13 =	vadd.f32 v14, v7;
	v8 =	vld [tilespmem:s23+$0x150]  }
0x182: {  	s24 =	sadd.s32 $0x200, s24;
	v12 =	vadd.f32 v15, v12;
	v7 =	vld [tilespmem:s23+$0x160]  }
0x183: {  	v13 =	vmax.f32 v13, $0.0e+00;
	v6 =	vadd.f32 v6, v11;
	v63 =	vld [tilespmem:s23+$0x170]  }
0x184: {  	[tilespmem:s23+$0x100] =	vst v13;
	v12 =	vmax.f32 v12, $0.0e+00;
	v5 =	vadd.f32 v5, v10  }
0x185: {  	[tilespmem:s23+$0x110] =	vst v12;
	v6 =	vmax.f32 v6, $0.0e+00;
	v4 =	vadd.f32 v4, v9  }
0x186: {  	[tilespmem:s23+$0x120] =	vst v6;
	v5 =	vmax.f32 v5, $0.0e+00;
	v3 =	vadd.f32 v3, v8  }
0x187: {  	[tilespmem:s23+$0x130] =	vst v5;
	v4 =	vmax.f32 v4, $0.0e+00;
	v2 =	vadd.f32 v2, v7  }
0x188: {  	[tilespmem:s23+$0x140] =	vst v4;
	v3 =	vmax.f32 v3, $0.0e+00;
	v1 =	vadd.f32 v1, v63  }
0x189: {  	s22 =	sadd.s32 $0x1, s22;
	[tilespmem:s23+$0x150] =	vst v3;
	v2 =	vmax.f32 v2, $0.0e+00  }
0x18a: {  	p0 =	sne.s32 s22, $0x7D;
	[tilespmem:s23+$0x160] =	vst v2;
	v1 =	vmax.f32 v1, $0.0e+00  }
.Ltmp8:
0x18b: {  	[tilespmem:s23+$0x170] =	vst v1;
	(pc) =	sbr.rel @p0 .LBB2_16-.Ltmp8, $4  }
0x18c: {  	[spmem:s3] =	stream.indirect.scatter.add.f32 [tilespmem:s30], [sflag:$0x2], $0x80, s28, s29, $0xb8;
	[tilespmem:$0x1D100] =	vst v63  }
0x18d: {  	_ =	swait.ge [sflag:s26], $0x2800  }
0x18e: {  	[sflag:s26] =	ssyncset.done $0x0  }
0x18f: {  	[sflag:s26] =	ssyncadd.s32 $0xFFFFD800  }
0x190: {  	[bflag:$0x0] =	sbarrier.arrive $0xFFFF  }
0x191: {  	s16 =	rddreg [dreg:$0x9]  }
0x192: {  	[hbm:s16], [sflag:s5] =	dma.local [spmem:s20], $0x2800  }
0x193: {  	_ =	swait.ge [sflag:s26], $0x2800  }
0x194: {  	s4 =	sadd.s32 $0x1, s4;
	s24 =	rddreg [dreg:$0xa]  }
0x195: {  	p0 =	sne.s32 s4, s24  }
.Ltmp9:
0x196: {  	_ = 	snop;
	(pc) =	sbr.rel @p0 .LBB2_1-.Ltmp9, $3  }
0x197: {  	[sflag:s26] =	ssyncset.done $0x0  }
0x198: {  	[sflag:s26] =	ssyncadd.s32 $0xFFFFD800  }
0x199: {  	[bflag:$0x0] =	sbarrier.arrive $0xFFFF;
	_ =	sdelay $0x1  }
0x19a: {  	_ =	sfence.sel $0x180000  }
0x19b: {  	[bflag:$0x0] =	sbarrier.arrive $0xFFFF  }
0x19c: {  	_ =	strace $0x90000047  }
0x19d: {  	s0 =	stileid.u32;
	[bflag:$0x2] =	sbarrier.arrive $0xFFFF  }
0x19e: {  	p0 =	sne.s32 s0, $0x0;
	s0 =	rddreg [dreg:$0x4]  }
0x19f: {  	s0 =	sadd.s32 @!p0 $0x100000, s0  }
0x1a0: {  	[sflag:s0] =	ssyncadd.tile.s32 @!p0 $0x1;
	_ =	shalt  }
.Lfunc_end2:
_tile_overlayer_lowered:
.L_overlay_start_2:
0x1a1: {  	(tag) =	ssettag $0x2  }
0x1a2: {  	s0 =	rddreg [dreg:$0x0];
	s2 =	stileid.u32  }
0x1a3: {  	s1 =	rddreg [dreg:$0x1];
	p0 =	sne.s32 s2, $0x0  }
0x1a4: {  	s3 =	rddreg [dreg:$0x2];
	[bflag:$0x3] =	sbarrier.arrive $0xFFFF;
	s2 =	simm.s32 @!p0 $0x1C02  }
0x1a5: {  	[timem:s3], [sflag:s2] =	dma.local @!p0 [hbm:s0], s1  }
0x1a6: {  	s0 =	simm.s32 @!p0 $0x2  }
0x1a7: {  	_ =	swait.ge @!p0 [sflag:s0], s1  }
0x1a8: {  	s1 =	ssub.s32 @!p0 $0x0, s1;
	[sflag:s0] =	ssyncset.done @!p0 $0x0  }
0x1a9: {  	[sflag:s0] =	ssyncadd.s32 @!p0 s1  }
0x1aa: {  	[bflag:$0x3] =	sbarrier.arrive $0xFFFF  }
0x1ab: {  	_ =	shalt  }

</sc_bundles>
